<compile_context>
chip_gen: v7x
topology: tpu7x:2x2x1
jax: 0.10.2.dev20260603
libtpu: 0.0.44.dev20260713+nightly
codegen_flags: <defaults>
</compile_context>

<pallas_src>
import functools

import jax
import jax.numpy as jnp
from jax import lax
from jax.experimental import pallas as pl
from jax.experimental.pallas import tpu as pltpu
from jax.experimental.pallas import tpu_sc as plsc

_BS = 16
_NPG = 4096
_C = 256
_NKP = 64
_KNN = 10
_NSEL = _KNN * _NKP
_NROWS = _BS * _NSEL
_PPAD = 16


def _topk_body(feat_ref, posb_ref, pos_t_ref, wr_ref, idx_ref, rel_ref):
    b = pl.program_id(0)
    feat = feat_ref[...].astype(jnp.bfloat16)
    posb = posb_ref[...]
    s = jnp.dot(feat, wr_ref[...], preferred_element_type=jnp.float32)
    m = jnp.max(s, axis=0, keepdims=True)
    p = jnp.exp(s - m)
    pw = p / jnp.sum(p, axis=0, keepdims=True)
    kp = jax.lax.dot_general(pw.astype(jnp.bfloat16), posb,
                             (((0,), (0,)), ((), ())),
                             preferred_element_type=jnp.float32)

    d2 = jnp.zeros((_NKP, _NPG), jnp.float32)
    for d in range(3):
        diff = kp[:, d:d + 1] - pos_t_ref[0, d:d + 1, :]
        d2 = d2 + diff * diff

    iotaf = jax.lax.broadcasted_iota(jnp.int32, (_NKP, _NPG), 1).astype(
        jnp.float32)
    big = jnp.float32(jnp.inf)
    npgf = jnp.float32(_NPG)
    idxs = []
    hits = []
    dmin = jnp.min(d2, axis=1, keepdims=True)
    for r in range(_KNN):
        idx = jnp.min(jnp.where(d2 <= dmin, iotaf, npgf), axis=1, keepdims=True)
        idxs.append(idx)
        hit = iotaf == idx
        hits.append(hit.astype(jnp.bfloat16))
        d2 = jnp.where(hit, big, d2)
        if r + 1 < _KNN:
            dmin = jnp.min(d2, axis=1, keepdims=True)

    idxcol = jnp.concatenate(idxs, axis=0)
    gidx = idxcol.astype(jnp.int32).reshape(1, _NSEL) + b * _NPG
    idx_ref[0] = gidx

    onehot = jnp.concatenate(hits, axis=0)
    pj = jnp.dot(onehot, posb, preferred_element_type=jnp.float32)
    kp_rep = jnp.concatenate([kp] * _KNN, axis=0)
    rel_ref[0] = pj - kp_rep


def _sc_gather(feat_hbm, idx_hbm, outf_hbm, idx_v, rows_v, sem_f):
    nw = 32
    bpw = _NROWS // nw
    wid = lax.axis_index("s") * 2 + lax.axis_index("c")
    base = wid * bpw
    pltpu.sync_copy(idx_hbm.at[pl.ds(base, bpw)], idx_v)
    pltpu.async_copy(feat_hbm.at[idx_v], rows_v, sem_f).wait()
    pltpu.sync_copy(rows_v, outf_hbm.at[pl.ds(base, bpw)])


def _extract_body(g_ref, rel_ref, wef_ref, wep_ref, out_ref):
    fj = g_ref[0].astype(jnp.bfloat16)
    rel = rel_ref[0].astype(jnp.bfloat16)
    ext = (jnp.dot(fj, wef_ref[...], preferred_element_type=jnp.float32)
           + jnp.dot(rel, wep_ref[...], preferred_element_type=jnp.float32))
    ext = jnp.maximum(ext, 0.0).reshape(_KNN, _NKP, _C)
    out_ref[0] = jnp.sum(ext, axis=0) * (1.0 / _KNN)


def kernel(feature, pos, W_pool, W_regress, W_extract):
    del W_pool
    bf = jnp.bfloat16
    posb = pos.astype(bf)
    wr = W_regress[:_C].astype(bf)
    wef = W_extract[:_C].astype(bf)
    wep = W_extract[_C:].astype(bf)
    pos_t = pos.reshape(_BS, _NPG, 3).transpose(0, 2, 1)

    gidx, rel = pl.pallas_call(
        _topk_body,
        grid=(_BS,),
        in_specs=[
            pl.BlockSpec((_NPG, _C), lambda b: (b, 0)),
            pl.BlockSpec((_NPG, 3), lambda b: (b, 0)),
            pl.BlockSpec((1, 3, _NPG), lambda b: (b, 0, 0)),
            pl.BlockSpec((_C, _NKP), lambda b: (0, 0)),
        ],
        out_specs=[
            pl.BlockSpec((1, 1, _NSEL), lambda b: (b, 0, 0)),
            pl.BlockSpec((1, _NSEL, 3), lambda b: (b, 0, 0)),
        ],
        out_shape=[
            jax.ShapeDtypeStruct((_BS, 1, _NSEL), jnp.int32),
            jax.ShapeDtypeStruct((_BS, _NSEL, 3), jnp.float32),
        ],
    )(feature, posb, pos_t, wr)

    idx_flat = gidx.reshape(_NROWS)

    mesh = plsc.VectorSubcoreMesh(core_axis_name="c", subcore_axis_name="s")
    bpw = _NROWS // 32
    sc = functools.partial(
        pl.kernel, mesh=mesh,
        out_type=jax.ShapeDtypeStruct((_NROWS, _C), jnp.float32),
        scratch_types=[
            pltpu.VMEM((bpw,), jnp.int32),
            pltpu.VMEM((bpw, _C), jnp.float32),
            pltpu.SemaphoreType.DMA,
        ],
    )(_sc_gather)
    g_rows = sc(feature, idx_flat)

    g3 = g_rows.reshape(_BS, _NSEL, _C)

    return pl.pallas_call(
        _extract_body,
        grid=(_BS,),
        in_specs=[
            pl.BlockSpec((1, _NSEL, _C), lambda b: (b, 0, 0)),
            pl.BlockSpec((1, _NSEL, 3), lambda b: (b, 0, 0)),
            pl.BlockSpec((_C, _C), lambda b: (0, 0)),
            pl.BlockSpec((3, _C), lambda b: (0, 0)),
        ],
        out_specs=pl.BlockSpec((1, _NKP, _C), lambda b: (b, 0, 0)),
        out_shape=jax.ShapeDtypeStruct((_BS, _NKP, _C), jnp.float32),
    )(g3, rel, wef, wep)

# --- scband reference (transcript-rebuilt; emitter-appended) ---
"""Pipeline reference for scband-key-extraction-layer-1116691497434 (READ-ONLY COPY).

The authoritative reference and input builder live on the scoring server;
editing this copy changes nothing except your own understanding.
"""

import jax, jax.numpy as jnp
import numpy as np

BS = 16      # number of graphs in batch
NPG = 4096   # nodes per graph
C = 256      # feature channels
NKP = 64     # number of keypoints per graph
KNN = 10     # key_mean_num


def setup_inputs(seed: int = 0) -> dict:
    key = jax.random.key(seed)
    k1, k2, k3, k4, k5 = jax.random.split(key, 5)
    N = BS * NPG
    feature = jax.random.normal(k1, (N, C), dtype=jnp.float32)
    pos = jax.random.normal(k2, (N, 3), dtype=jnp.float32)
    W_pool = jax.random.normal(k3, (C, 2), dtype=jnp.float32) / np.sqrt(C)
    reg_in = C + 2 + 2 * C  # feature + paired global scalars + paired pooled features
    W_regress = jax.random.normal(k4, (reg_in, NKP), dtype=jnp.float32) / np.sqrt(reg_in)
    W_extract = jax.random.normal(k5, (C + 3, C), dtype=jnp.float32) / np.sqrt(C + 3)
    return {"feature": feature, "pos": pos, "W_pool": W_pool,
            "W_regress": W_regress, "W_extract": W_extract}


def reference(feature, pos, W_pool, W_regress, W_extract):
    bs, n = BS, NPG
    # --- key_feature_gloabal_pool_weight: per-node logits ---
    logit = feature @ W_pool                      # [N, 2]
    lg = logit[:, 0].reshape(bs, n)
    prob = jax.nn.softmax(lg, axis=1)             # dgl.softmax_nodes   [bs, n]
    f_b = feature.reshape(bs, n, C)
    batched_tensor = jnp.einsum('bn,bnc->bc', prob, f_b)   # dgl.sum_nodes weighted  [bs, C]
    g0 = logit[:, 1].reshape(bs, n)
    global_deg0 = jnp.sum(prob * g0, axis=1, keepdims=True)  # [bs, 1]
    # --- cat_0 global merge: pair graph halves ---
    h = bs // 2
    g1, g2 = global_deg0[:h], global_deg0[h:]
    extra_paired = jnp.concatenate([jnp.concatenate([g1, g2], 1),
                                    jnp.concatenate([g2, g1], 1)], 0)      # [bs, 2]
    t1, t2 = batched_tensor[:h], batched_tensor[h:]
    paired = jnp.concatenate([jnp.concatenate([t1, t2], 1),
                              jnp.concatenate([t2, t1], 1)], 0)            # [bs, 2C]
    extra_b = jnp.repeat(extra_paired, n, axis=0)  # dgl.broadcast_nodes   [N, 2]
    paired_b = jnp.repeat(paired, n, axis=0)       # [N, 2C]
    feature_new = jnp.concatenate([feature, extra_b, paired_b], axis=1)    # [N, 3C+2]
    # --- key_regress: per-node keypoint logits -> softmax-weighted position pooling ---
    pw_logit = feature_new @ W_regress             # [N, NKP]
    pw = jax.nn.softmax(pw_logit.reshape(bs, n, NKP), axis=1)  # dgl.softmax_nodes
    pos_b = pos.reshape(bs, n, 3)
    keypoints = jnp.einsum('bnk,bnd->bkd', pw, pos_b)          # selected_key_points [bs, NKP, 3]
    # --- batched knn: for each keypoint, k nearest nodes within its own graph ---
    d2 = jnp.sum((keypoints[:, :, None, :] - pos_b[:, None, :, :]) ** 2, axis=-1)  # [bs, NKP, n]
    _, idx = jax.lax.top_k(-d2, KNN)               # [bs, NKP, KNN]
    barange = jnp.arange(bs)[:, None, None]
    feat_nb = f_b[barange, idx]                    # gather neighbor features [bs, NKP, KNN, C]
    pos_nb = pos_b[barange, idx]                   # [bs, NKP, KNN, 3]
    rel = pos_nb - keypoints[:, :, None, :]        # relative basis (get_basis_new analogue)
    ext_in = jnp.concatenate([feat_nb, rel], axis=-1)          # [bs, NKP, KNN, C+3]
    ext_out = jax.nn.relu(ext_in @ W_extract)      # key_extract equivariant net analogue
    key_tensor = jnp.mean(ext_out, axis=2)         # pool over knn neighbors [bs, NKP, C]
    return key_tensor

if __name__ == "__main__":
    import jax
    _d = setup_inputs()
    print(jax.jit(kernel)(*tuple(_d.values())))

</pallas_src>

<mosaic_0001>
#map = affine_map<(d0, d1) -> (0, 0)>
#map1 = affine_map<(d0, d1) -> (0)>
module attributes {stable_mosaic.version = 14 : i64} {
  func.func @_sc_gather(%arg0: i32, %arg1: i32, %arg2: memref<65536x256xf32, #tpu.memory_space<hbm>>, %arg3: memref<10240xi32, #tpu.memory_space<hbm>>, %arg4: memref<10240x256xf32, #tpu.memory_space<hbm>>, %arg5: memref<320xi32, #tpu.memory_space<vmem>>, %arg6: memref<320x256xf32, #tpu.memory_space<vmem>>, %arg7: memref<!tpu.dma_semaphore, #tpu.memory_space<semaphore_mem>>) attributes {dimension_semantics = [#tpu.dimension_semantics<core_parallel>, #tpu.dimension_semantics<subcore_parallel>], iteration_bounds = array<i64: 2, 16>, scalar_prefetch = 0 : i64, scratch_operands = 3 : i64, tpu.core_type = #tpu.core_type<sc_vector_subcore>, window_params = [{transform_indices = #map}, {transform_indices = #map1}, {transform_indices = #map}]} {
    %mul3A = arith.constant 2 : i32
    %mul3A_0 = arith.muli %arg1, %mul3A : i32
    %add3A = arith.addi %mul3A_0, %arg0 : i32
    %mul3A_1 = arith.constant 320 : i32
    %mul3A_2 = arith.muli %add3A, %mul3A_1 : i32
    "tpu.region"() ({
      %run_scoped3A = tpu.sem_alloc : memref<!tpu.dma_semaphore, #tpu.memory_space<semaphore_mem>>
      %dma_start3A_7 = tpu.memref_slice %arg3[%mul3A_2] : memref<10240xi32, #tpu.memory_space<hbm>> -> memref<320xi32, #tpu.memory_space<hbm>>
      %dma_start3A_8 = tpu.memref_slice %arg3[%mul3A_2] : memref<10240xi32, #tpu.memory_space<hbm>> -> memref<320xi32, #tpu.memory_space<hbm>>
      tpu.enqueue_dma source(%dma_start3A_8 : memref<320xi32, #tpu.memory_space<hbm>>) target(%arg5 : memref<320xi32, #tpu.memory_space<vmem>>) target_semaphore(%run_scoped3A : memref<!tpu.dma_semaphore, #tpu.memory_space<semaphore_mem>>)
      %dma_wait3A_9 = tpu.memref_slice %arg3[%mul3A_2] : memref<10240xi32, #tpu.memory_space<hbm>> -> memref<320xi32, #tpu.memory_space<hbm>>
      %dma_wait3A_10 = tpu.memref_slice %arg3[%mul3A_2] : memref<10240xi32, #tpu.memory_space<hbm>> -> memref<320xi32, #tpu.memory_space<hbm>>
      tpu.wait_dma2 semaphore(%run_scoped3A : memref<!tpu.dma_semaphore, #tpu.memory_space<semaphore_mem>>) src(%dma_wait3A_10 : memref<320xi32, #tpu.memory_space<hbm>>) dst(%arg5 : memref<320xi32, #tpu.memory_space<vmem>>)
      tpu.yield
    }) : () -> ()
    %dma_start3A = arith.constant 0 : i32
    %dma_start3A_3 = arith.constant 0 : i32
    %dma_start3A_4 = tpu.memref_slice %arg2[%dma_start3A, %dma_start3A_3] : memref<65536x256xf32, #tpu.memory_space<hbm>> -> memref<65536x256xf32, #tpu.memory_space<hbm>>
    tpu.enqueue_indirect_dma source(%dma_start3A_4 : memref<65536x256xf32, #tpu.memory_space<hbm>>) target(%arg6 : memref<320x256xf32, #tpu.memory_space<vmem>>) offsets(%arg5 : memref<320xi32, #tpu.memory_space<vmem>>) semaphore(%arg7 : memref<!tpu.dma_semaphore, #tpu.memory_space<semaphore_mem>>)
    %dma_wait3A = arith.constant 0 : i32
    %dma_wait3A_5 = arith.constant 0 : i32
    %dma_wait3A_6 = tpu.memref_slice %arg2[%dma_wait3A, %dma_wait3A_5] : memref<65536x256xf32, #tpu.memory_space<hbm>> -> memref<65536x256xf32, #tpu.memory_space<hbm>>
    tpu.wait_indirect_dma semaphore(%arg7 : memref<!tpu.dma_semaphore, #tpu.memory_space<semaphore_mem>>) src(%dma_wait3A_6 : memref<65536x256xf32, #tpu.memory_space<hbm>>) dst(%arg6 : memref<320x256xf32, #tpu.memory_space<vmem>>)
    "tpu.region"() ({
      %run_scoped3A = tpu.sem_alloc : memref<!tpu.dma_semaphore, #tpu.memory_space<semaphore_mem>>
      %dma_start3A_7 = arith.constant 0 : i32
      %dma_start3A_8 = tpu.memref_slice %arg4[%mul3A_2, %dma_start3A_7] : memref<10240x256xf32, #tpu.memory_space<hbm>> -> memref<320x256xf32, #tpu.memory_space<hbm>>
      %dma_start3A_9 = arith.constant 0 : i32
      %dma_start3A_10 = tpu.memref_slice %arg4[%mul3A_2, %dma_start3A_9] : memref<10240x256xf32, #tpu.memory_space<hbm>> -> memref<320x256xf32, #tpu.memory_space<hbm>>
      tpu.enqueue_dma source(%arg6 : memref<320x256xf32, #tpu.memory_space<vmem>>) target(%dma_start3A_10 : memref<320x256xf32, #tpu.memory_space<hbm>>) target_semaphore(%run_scoped3A : memref<!tpu.dma_semaphore, #tpu.memory_space<semaphore_mem>>)
      %dma_wait3A_11 = arith.constant 0 : i32
      %dma_wait3A_12 = tpu.memref_slice %arg4[%mul3A_2, %dma_wait3A_11] : memref<10240x256xf32, #tpu.memory_space<hbm>> -> memref<320x256xf32, #tpu.memory_space<hbm>>
      %dma_wait3A_13 = arith.constant 0 : i32
      %dma_wait3A_14 = tpu.memref_slice %arg4[%mul3A_2, %dma_wait3A_13] : memref<10240x256xf32, #tpu.memory_space<hbm>> -> memref<320x256xf32, #tpu.memory_space<hbm>>
      tpu.wait_dma2 semaphore(%run_scoped3A : memref<!tpu.dma_semaphore, #tpu.memory_space<semaphore_mem>>) src(%arg6 : memref<320x256xf32, #tpu.memory_space<vmem>>) dst(%dma_wait3A_14 : memref<320x256xf32, #tpu.memory_space<hbm>>)
      tpu.yield
    }) : () -> ()
    return
  }
}

module attributes {stable_mosaic.version = 14 : i64} {
  func.func @_topk_body(%arg0: i32, %arg1: memref<4096x256xf32, #tpu.memory_space<vmem>>, %arg2: memref<4096x3xbf16, #tpu.memory_space<vmem>>, %arg3: memref<1x3x4096xf32, #tpu.memory_space<vmem>>, %arg4: memref<256x64xbf16, #tpu.memory_space<vmem>>, %arg5: memref<1x1x640xi32, #tpu.memory_space<vmem>>, %arg6: memref<1x640x3xf32, #tpu.memory_space<vmem>>) attributes {dimension_semantics = [#tpu.dimension_semantics<arbitrary>], iteration_bounds = array<i64: 16>, scalar_prefetch = 0 : i64, scratch_operands = 0 : i64, tpu.core_type = #tpu.core_type<tc>, window_params = [{transform_indices = @transform_0, window_bounds = array<i64: 4096, 256>}, {transform_indices = @transform_1, window_bounds = array<i64: 4096, 3>}, {transform_indices = @transform_2, window_bounds = array<i64: 1, 3, 4096>}, {pipeline_mode = #tpu.pipeline_mode<synchronous>, transform_indices = @transform_3, window_bounds = array<i64: 256, 64>}, {transform_indices = @transform_4, window_bounds = array<i64: 1, 1, 640>}, {transform_indices = @transform_5, window_bounds = array<i64: 1, 640, 3>}]} {
    %get3A = arith.constant 0 : index
    %get3A_0 = arith.constant 0 : index
    %get3A_1 = vector.load %arg1[%get3A, %get3A_0] : memref<4096x256xf32, #tpu.memory_space<vmem>>, vector<4096x256xf32>
    %convert_element_type3A = arith.truncf %get3A_1 : vector<4096x256xf32> to vector<4096x256xbf16>
    %get3A_2 = arith.constant 0 : index
    %get3A_3 = arith.constant 0 : index
    %get3A_4 = vector.load %arg2[%get3A_2, %get3A_3] : memref<4096x3xbf16, #tpu.memory_space<vmem>>, vector<4096x3xbf16>
    %get3A_5 = arith.constant 0 : index
    %get3A_6 = arith.constant 0 : index
    %get3A_7 = vector.load %arg4[%get3A_5, %get3A_6] : memref<256x64xbf16, #tpu.memory_space<vmem>>, vector<256x64xbf16>
    %dot_general3A = arith.constant dense<0.000000e+00> : vector<4096x64xf32>
    %dot_general3A_8 = tpu.matmul %convert_element_type3A, %get3A_7, %dot_general3A {dimension_numbers = #tpu.dot_dimension_numbers<[1], [0], [0], [1], [0, 0, 1, 1], [], []>, transpose_lhs_hint = false} : vector<4096x256xbf16>, vector<256x64xbf16>, vector<4096x64xf32> -> vector<4096x64xf32>
    %reduce_max3A = arith.constant dense<0xFF800000> : vector<64xf32>
    %reduce_max3A_9 = vector.multi_reduction <maximumf>, %dot_general3A_8, %reduce_max3A [0] : vector<4096x64xf32> to vector<64xf32>
    %broadcast_in_dim3A = vector.shape_cast %reduce_max3A_9 : vector<64xf32> to vector<1x64xf32>
    %sub3A = vector.broadcast %broadcast_in_dim3A : vector<1x64xf32> to vector<4096x64xf32>
    %sub3A_10 = arith.subf %dot_general3A_8, %sub3A : vector<4096x64xf32>
    %exp3A = math.exp %sub3A_10 : vector<4096x64xf32>
    %reduce_sum3A = arith.constant dense<0.000000e+00> : vector<64xf32>
    %reduce_sum3A_11 = vector.multi_reduction <add>, %exp3A, %reduce_sum3A [0] : vector<4096x64xf32> to vector<64xf32>
    %broadcast_in_dim3A_12 = vector.shape_cast %reduce_sum3A_11 : vector<64xf32> to vector<1x64xf32>
    %div3A = vector.broadcast %broadcast_in_dim3A_12 : vector<1x64xf32> to vector<4096x64xf32>
    %div3A_13 = arith.divf %exp3A, %div3A : vector<4096x64xf32>
    %convert_element_type3A_14 = arith.truncf %div3A_13 : vector<4096x64xf32> to vector<4096x64xbf16>
    %dot_general3A_15 = arith.constant dense<0.000000e+00> : vector<64x3xf32>
    %dot_general3A_16 = tpu.matmul %convert_element_type3A_14, %get3A_4, %dot_general3A_15 {dimension_numbers = #tpu.dot_dimension_numbers<[0], [0], [1], [1], [0, 1, 1, 1], [], []>, transpose_lhs_hint = false} : vector<4096x64xbf16>, vector<4096x3xbf16>, vector<64x3xf32> -> vector<64x3xf32>
    %broadcast_in_dim3A_17 = arith.constant 0.000000e+00 : f32
    %broadcast_in_dim3A_18 = vector.broadcast %broadcast_in_dim3A_17 : f32 to vector<64x4096xf32>
    %slice3A = vector.extract_strided_slice %dot_general3A_16 {offsets = [0, 0], sizes = [64, 1], strides = [1, 1]} : vector<64x3xf32> to vector<64x1xf32>
    %get3A_19 = arith.constant 0 : index
    %get3A_20 = arith.constant 0 : index
    %get3A_21 = arith.constant 0 : index
    %get3A_22 = vector.load %arg3[%get3A_19, %get3A_20, %get3A_21] : memref<1x3x4096xf32, #tpu.memory_space<vmem>>, vector<1x1x4096xf32>
    %get3A_23 = vector.shape_cast %get3A_22 : vector<1x1x4096xf32> to vector<1x4096xf32>
    %sub3A_24 = vector.broadcast %slice3A : vector<64x1xf32> to vector<64x4096xf32>
    %sub3A_25 = vector.broadcast %get3A_23 : vector<1x4096xf32> to vector<64x4096xf32>
    %sub3A_26 = arith.subf %sub3A_24, %sub3A_25 : vector<64x4096xf32>
    %mul3A = arith.mulf %sub3A_26, %sub3A_26 : vector<64x4096xf32>
    %add3A = arith.addf %broadcast_in_dim3A_18, %mul3A : vector<64x4096xf32>
    %slice3A_27 = vector.extract_strided_slice %dot_general3A_16 {offsets = [0, 1], sizes = [64, 1], strides = [1, 1]} : vector<64x3xf32> to vector<64x1xf32>
    %get3A_28 = arith.constant 0 : index
    %get3A_29 = arith.constant 1 : index
    %get3A_30 = arith.constant 0 : index
    %get3A_31 = vector.load %arg3[%get3A_28, %get3A_29, %get3A_30] : memref<1x3x4096xf32, #tpu.memory_space<vmem>>, vector<1x1x4096xf32>
    %get3A_32 = vector.shape_cast %get3A_31 : vector<1x1x4096xf32> to vector<1x4096xf32>
    %sub3A_33 = vector.broadcast %slice3A_27 : vector<64x1xf32> to vector<64x4096xf32>
    %sub3A_34 = vector.broadcast %get3A_32 : vector<1x4096xf32> to vector<64x4096xf32>
    %sub3A_35 = arith.subf %sub3A_33, %sub3A_34 : vector<64x4096xf32>
    %mul3A_36 = arith.mulf %sub3A_35, %sub3A_35 : vector<64x4096xf32>
    %add3A_37 = arith.addf %add3A, %mul3A_36 : vector<64x4096xf32>
    %slice3A_38 = vector.extract_strided_slice %dot_general3A_16 {offsets = [0, 2], sizes = [64, 1], strides = [1, 1]} : vector<64x3xf32> to vector<64x1xf32>
    %get3A_39 = arith.constant 0 : index
    %get3A_40 = arith.constant 2 : index
    %get3A_41 = arith.constant 0 : index
    %get3A_42 = vector.load %arg3[%get3A_39, %get3A_40, %get3A_41] : memref<1x3x4096xf32, #tpu.memory_space<vmem>>, vector<1x1x4096xf32>
    %get3A_43 = vector.shape_cast %get3A_42 : vector<1x1x4096xf32> to vector<1x4096xf32>
    %sub3A_44 = vector.broadcast %slice3A_38 : vector<64x1xf32> to vector<64x4096xf32>
    %sub3A_45 = vector.broadcast %get3A_43 : vector<1x4096xf32> to vector<64x4096xf32>
    %sub3A_46 = arith.subf %sub3A_44, %sub3A_45 : vector<64x4096xf32>
    %mul3A_47 = arith.mulf %sub3A_46, %sub3A_46 : vector<64x4096xf32>
    %add3A_48 = arith.addf %add3A_37, %mul3A_47 : vector<64x4096xf32>
    %iota3A = tpu.iota {dimensions = array<i32: 1>} : vector<64x4096xi32>
    %convert_element_type3A_49 = arith.sitofp %iota3A : vector<64x4096xi32> to vector<64x4096xf32>
    %reduce_min3A = arith.constant dense<0x7F800000> : vector<64xf32>
    %reduce_min3A_50 = vector.multi_reduction <minimumf>, %add3A_48, %reduce_min3A [1] : vector<64x4096xf32> to vector<64xf32>
    %broadcast_in_dim3A_51 = vector.shape_cast %reduce_min3A_50 : vector<64xf32> to vector<64x1xf32>
    %le3A = vector.broadcast %broadcast_in_dim3A_51 : vector<64x1xf32> to vector<64x4096xf32>
    %le3A_52 = arith.cmpf ole, %add3A_48, %le3A : vector<64x4096xf32>
    %jit3A = arith.constant 4.096000e+03 : f32
    %broadcast_in_dim3A_53 = vector.broadcast %jit3A : f32 to vector<64x4096xf32>
    %select_n3A = arith.select %le3A_52, %convert_element_type3A_49, %broadcast_in_dim3A_53 : vector<64x4096xi1>, vector<64x4096xf32>
    %reduce_min3A_54 = arith.constant dense<0x7F800000> : vector<64xf32>
    %reduce_min3A_55 = vector.multi_reduction <minimumf>, %select_n3A, %reduce_min3A_54 [1] : vector<64x4096xf32> to vector<64xf32>
    %broadcast_in_dim3A_56 = vector.shape_cast %reduce_min3A_55 : vector<64xf32> to vector<64x1xf32>
    %eq3A = vector.broadcast %broadcast_in_dim3A_56 : vector<64x1xf32> to vector<64x4096xf32>
    %eq3A_57 = arith.cmpf oeq, %convert_element_type3A_49, %eq3A : vector<64x4096xf32>
    %convert_element_type3A_58 = arith.extui %eq3A_57 : vector<64x4096xi1> to vector<64x4096xi32>
    %convert_element_type3A_59 = arith.sitofp %convert_element_type3A_58 : vector<64x4096xi32> to vector<64x4096xf32>
    %convert_element_type3A_60 = arith.truncf %convert_element_type3A_59 : vector<64x4096xf32> to vector<64x4096xbf16>
    %jit3A_61 = arith.constant 0x7F800000 : f32
    %broadcast_in_dim3A_62 = vector.broadcast %jit3A_61 : f32 to vector<64x4096xf32>
    %select_n3A_63 = arith.select %eq3A_57, %broadcast_in_dim3A_62, %add3A_48 : vector<64x4096xi1>, vector<64x4096xf32>
    %reduce_min3A_64 = arith.constant dense<0x7F800000> : vector<64xf32>
    %reduce_min3A_65 = vector.multi_reduction <minimumf>, %select_n3A_63, %reduce_min3A_64 [1] : vector<64x4096xf32> to vector<64xf32>
    %broadcast_in_dim3A_66 = vector.shape_cast %reduce_min3A_65 : vector<64xf32> to vector<64x1xf32>
    %le3A_67 = vector.broadcast %broadcast_in_dim3A_66 : vector<64x1xf32> to vector<64x4096xf32>
    %le3A_68 = arith.cmpf ole, %select_n3A_63, %le3A_67 : vector<64x4096xf32>
    %jit3A_69 = arith.constant 4.096000e+03 : f32
    %broadcast_in_dim3A_70 = vector.broadcast %jit3A_69 : f32 to vector<64x4096xf32>
    %select_n3A_71 = arith.select %le3A_68, %convert_element_type3A_49, %broadcast_in_dim3A_70 : vector<64x4096xi1>, vector<64x4096xf32>
    %reduce_min3A_72 = arith.constant dense<0x7F800000> : vector<64xf32>
    %reduce_min3A_73 = vector.multi_reduction <minimumf>, %select_n3A_71, %reduce_min3A_72 [1] : vector<64x4096xf32> to vector<64xf32>
    %broadcast_in_dim3A_74 = vector.shape_cast %reduce_min3A_73 : vector<64xf32> to vector<64x1xf32>
    %eq3A_75 = vector.broadcast %broadcast_in_dim3A_74 : vector<64x1xf32> to vector<64x4096xf32>
    %eq3A_76 = arith.cmpf oeq, %convert_element_type3A_49, %eq3A_75 : vector<64x4096xf32>
    %convert_element_type3A_77 = arith.extui %eq3A_76 : vector<64x4096xi1> to vector<64x4096xi32>
    %convert_element_type3A_78 = arith.sitofp %convert_element_type3A_77 : vector<64x4096xi32> to vector<64x4096xf32>
    %convert_element_type3A_79 = arith.truncf %convert_element_type3A_78 : vector<64x4096xf32> to vector<64x4096xbf16>
    %jit3A_80 = arith.constant 0x7F800000 : f32
    %broadcast_in_dim3A_81 = vector.broadcast %jit3A_80 : f32 to vector<64x4096xf32>
    %select_n3A_82 = arith.select %eq3A_76, %broadcast_in_dim3A_81, %select_n3A_63 : vector<64x4096xi1>, vector<64x4096xf32>
    %reduce_min3A_83 = arith.constant dense<0x7F800000> : vector<64xf32>
    %reduce_min3A_84 = vector.multi_reduction <minimumf>, %select_n3A_82, %reduce_min3A_83 [1] : vector<64x4096xf32> to vector<64xf32>
    %broadcast_in_dim3A_85 = vector.shape_cast %reduce_min3A_84 : vector<64xf32> to vector<64x1xf32>
    %le3A_86 = vector.broadcast %broadcast_in_dim3A_85 : vector<64x1xf32> to vector<64x4096xf32>
    %le3A_87 = arith.cmpf ole, %select_n3A_82, %le3A_86 : vector<64x4096xf32>
    %jit3A_88 = arith.constant 4.096000e+03 : f32
    %broadcast_in_dim3A_89 = vector.broadcast %jit3A_88 : f32 to vector<64x4096xf32>
    %select_n3A_90 = arith.select %le3A_87, %convert_element_type3A_49, %broadcast_in_dim3A_89 : vector<64x4096xi1>, vector<64x4096xf32>
    %reduce_min3A_91 = arith.constant dense<0x7F800000> : vector<64xf32>
    %reduce_min3A_92 = vector.multi_reduction <minimumf>, %select_n3A_90, %reduce_min3A_91 [1] : vector<64x4096xf32> to vector<64xf32>
    %broadcast_in_dim3A_93 = vector.shape_cast %reduce_min3A_92 : vector<64xf32> to vector<64x1xf32>
    %eq3A_94 = vector.broadcast %broadcast_in_dim3A_93 : vector<64x1xf32> to vector<64x4096xf32>
    %eq3A_95 = arith.cmpf oeq, %convert_element_type3A_49, %eq3A_94 : vector<64x4096xf32>
    %convert_element_type3A_96 = arith.extui %eq3A_95 : vector<64x4096xi1> to vector<64x4096xi32>
    %convert_element_type3A_97 = arith.sitofp %convert_element_type3A_96 : vector<64x4096xi32> to vector<64x4096xf32>
    %convert_element_type3A_98 = arith.truncf %convert_element_type3A_97 : vector<64x4096xf32> to vector<64x4096xbf16>
    %jit3A_99 = arith.constant 0x7F800000 : f32
    %broadcast_in_dim3A_100 = vector.broadcast %jit3A_99 : f32 to vector<64x4096xf32>
    %select_n3A_101 = arith.select %eq3A_95, %broadcast_in_dim3A_100, %select_n3A_82 : vector<64x4096xi1>, vector<64x4096xf32>
    %reduce_min3A_102 = arith.constant dense<0x7F800000> : vector<64xf32>
    %reduce_min3A_103 = vector.multi_reduction <minimumf>, %select_n3A_101, %reduce_min3A_102 [1] : vector<64x4096xf32> to vector<64xf32>
    %broadcast_in_dim3A_104 = vector.shape_cast %reduce_min3A_103 : vector<64xf32> to vector<64x1xf32>
    %le3A_105 = vector.broadcast %broadcast_in_dim3A_104 : vector<64x1xf32> to vector<64x4096xf32>
    %le3A_106 = arith.cmpf ole, %select_n3A_101, %le3A_105 : vector<64x4096xf32>
    %jit3A_107 = arith.constant 4.096000e+03 : f32
    %broadcast_in_dim3A_108 = vector.broadcast %jit3A_107 : f32 to vector<64x4096xf32>
    %select_n3A_109 = arith.select %le3A_106, %convert_element_type3A_49, %broadcast_in_dim3A_108 : vector<64x4096xi1>, vector<64x4096xf32>
    %reduce_min3A_110 = arith.constant dense<0x7F800000> : vector<64xf32>
    %reduce_min3A_111 = vector.multi_reduction <minimumf>, %select_n3A_109, %reduce_min3A_110 [1] : vector<64x4096xf32> to vector<64xf32>
    %broadcast_in_dim3A_112 = vector.shape_cast %reduce_min3A_111 : vector<64xf32> to vector<64x1xf32>
    %eq3A_113 = vector.broadcast %broadcast_in_dim3A_112 : vector<64x1xf32> to vector<64x4096xf32>
    %eq3A_114 = arith.cmpf oeq, %convert_element_type3A_49, %eq3A_113 : vector<64x4096xf32>
    %convert_element_type3A_115 = arith.extui %eq3A_114 : vector<64x4096xi1> to vector<64x4096xi32>
    %convert_element_type3A_116 = arith.sitofp %convert_element_type3A_115 : vector<64x4096xi32> to vector<64x4096xf32>
    %convert_element_type3A_117 = arith.truncf %convert_element_type3A_116 : vector<64x4096xf32> to vector<64x4096xbf16>
    %jit3A_118 = arith.constant 0x7F800000 : f32
    %broadcast_in_dim3A_119 = vector.broadcast %jit3A_118 : f32 to vector<64x4096xf32>
    %select_n3A_120 = arith.select %eq3A_114, %broadcast_in_dim3A_119, %select_n3A_101 : vector<64x4096xi1>, vector<64x4096xf32>
    %reduce_min3A_121 = arith.constant dense<0x7F800000> : vector<64xf32>
    %reduce_min3A_122 = vector.multi_reduction <minimumf>, %select_n3A_120, %reduce_min3A_121 [1] : vector<64x4096xf32> to vector<64xf32>
    %broadcast_in_dim3A_123 = vector.shape_cast %reduce_min3A_122 : vector<64xf32> to vector<64x1xf32>
    %le3A_124 = vector.broadcast %broadcast_in_dim3A_123 : vector<64x1xf32> to vector<64x4096xf32>
    %le3A_125 = arith.cmpf ole, %select_n3A_120, %le3A_124 : vector<64x4096xf32>
    %jit3A_126 = arith.constant 4.096000e+03 : f32
    %broadcast_in_dim3A_127 = vector.broadcast %jit3A_126 : f32 to vector<64x4096xf32>
    %select_n3A_128 = arith.select %le3A_125, %convert_element_type3A_49, %broadcast_in_dim3A_127 : vector<64x4096xi1>, vector<64x4096xf32>
    %reduce_min3A_129 = arith.constant dense<0x7F800000> : vector<64xf32>
    %reduce_min3A_130 = vector.multi_reduction <minimumf>, %select_n3A_128, %reduce_min3A_129 [1] : vector<64x4096xf32> to vector<64xf32>
    %broadcast_in_dim3A_131 = vector.shape_cast %reduce_min3A_130 : vector<64xf32> to vector<64x1xf32>
    %eq3A_132 = vector.broadcast %broadcast_in_dim3A_131 : vector<64x1xf32> to vector<64x4096xf32>
    %eq3A_133 = arith.cmpf oeq, %convert_element_type3A_49, %eq3A_132 : vector<64x4096xf32>
    %convert_element_type3A_134 = arith.extui %eq3A_133 : vector<64x4096xi1> to vector<64x4096xi32>
    %convert_element_type3A_135 = arith.sitofp %convert_element_type3A_134 : vector<64x4096xi32> to vector<64x4096xf32>
    %convert_element_type3A_136 = arith.truncf %convert_element_type3A_135 : vector<64x4096xf32> to vector<64x4096xbf16>
    %jit3A_137 = arith.constant 0x7F800000 : f32
    %broadcast_in_dim3A_138 = vector.broadcast %jit3A_137 : f32 to vector<64x4096xf32>
    %select_n3A_139 = arith.select %eq3A_133, %broadcast_in_dim3A_138, %select_n3A_120 : vector<64x4096xi1>, vector<64x4096xf32>
    %reduce_min3A_140 = arith.constant dense<0x7F800000> : vector<64xf32>
    %reduce_min3A_141 = vector.multi_reduction <minimumf>, %select_n3A_139, %reduce_min3A_140 [1] : vector<64x4096xf32> to vector<64xf32>
    %broadcast_in_dim3A_142 = vector.shape_cast %reduce_min3A_141 : vector<64xf32> to vector<64x1xf32>
    %le3A_143 = vector.broadcast %broadcast_in_dim3A_142 : vector<64x1xf32> to vector<64x4096xf32>
    %le3A_144 = arith.cmpf ole, %select_n3A_139, %le3A_143 : vector<64x4096xf32>
    %jit3A_145 = arith.constant 4.096000e+03 : f32
    %broadcast_in_dim3A_146 = vector.broadcast %jit3A_145 : f32 to vector<64x4096xf32>
    %select_n3A_147 = arith.select %le3A_144, %convert_element_type3A_49, %broadcast_in_dim3A_146 : vector<64x4096xi1>, vector<64x4096xf32>
    %reduce_min3A_148 = arith.constant dense<0x7F800000> : vector<64xf32>
    %reduce_min3A_149 = vector.multi_reduction <minimumf>, %select_n3A_147, %reduce_min3A_148 [1] : vector<64x4096xf32> to vector<64xf32>
    %broadcast_in_dim3A_150 = vector.shape_cast %reduce_min3A_149 : vector<64xf32> to vector<64x1xf32>
    %eq3A_151 = vector.broadcast %broadcast_in_dim3A_150 : vector<64x1xf32> to vector<64x4096xf32>
    %eq3A_152 = arith.cmpf oeq, %convert_element_type3A_49, %eq3A_151 : vector<64x4096xf32>
    %convert_element_type3A_153 = arith.extui %eq3A_152 : vector<64x4096xi1> to vector<64x4096xi32>
    %convert_element_type3A_154 = arith.sitofp %convert_element_type3A_153 : vector<64x4096xi32> to vector<64x4096xf32>
    %convert_element_type3A_155 = arith.truncf %convert_element_type3A_154 : vector<64x4096xf32> to vector<64x4096xbf16>
    %jit3A_156 = arith.constant 0x7F800000 : f32
    %broadcast_in_dim3A_157 = vector.broadcast %jit3A_156 : f32 to vector<64x4096xf32>
    %select_n3A_158 = arith.select %eq3A_152, %broadcast_in_dim3A_157, %select_n3A_139 : vector<64x4096xi1>, vector<64x4096xf32>
    %reduce_min3A_159 = arith.constant dense<0x7F800000> : vector<64xf32>
    %reduce_min3A_160 = vector.multi_reduction <minimumf>, %select_n3A_158, %reduce_min3A_159 [1] : vector<64x4096xf32> to vector<64xf32>
    %broadcast_in_dim3A_161 = vector.shape_cast %reduce_min3A_160 : vector<64xf32> to vector<64x1xf32>
    %le3A_162 = vector.broadcast %broadcast_in_dim3A_161 : vector<64x1xf32> to vector<64x4096xf32>
    %le3A_163 = arith.cmpf ole, %select_n3A_158, %le3A_162 : vector<64x4096xf32>
    %jit3A_164 = arith.constant 4.096000e+03 : f32
    %broadcast_in_dim3A_165 = vector.broadcast %jit3A_164 : f32 to vector<64x4096xf32>
    %select_n3A_166 = arith.select %le3A_163, %convert_element_type3A_49, %broadcast_in_dim3A_165 : vector<64x4096xi1>, vector<64x4096xf32>
    %reduce_min3A_167 = arith.constant dense<0x7F800000> : vector<64xf32>
    %reduce_min3A_168 = vector.multi_reduction <minimumf>, %select_n3A_166, %reduce_min3A_167 [1] : vector<64x4096xf32> to vector<64xf32>
    %broadcast_in_dim3A_169 = vector.shape_cast %reduce_min3A_168 : vector<64xf32> to vector<64x1xf32>
    %eq3A_170 = vector.broadcast %broadcast_in_dim3A_169 : vector<64x1xf32> to vector<64x4096xf32>
    %eq3A_171 = arith.cmpf oeq, %convert_element_type3A_49, %eq3A_170 : vector<64x4096xf32>
    %convert_element_type3A_172 = arith.extui %eq3A_171 : vector<64x4096xi1> to vector<64x4096xi32>
    %convert_element_type3A_173 = arith.sitofp %convert_element_type3A_172 : vector<64x4096xi32> to vector<64x4096xf32>
    %convert_element_type3A_174 = arith.truncf %convert_element_type3A_173 : vector<64x4096xf32> to vector<64x4096xbf16>
    %jit3A_175 = arith.constant 0x7F800000 : f32
    %broadcast_in_dim3A_176 = vector.broadcast %jit3A_175 : f32 to vector<64x4096xf32>
    %select_n3A_177 = arith.select %eq3A_171, %broadcast_in_dim3A_176, %select_n3A_158 : vector<64x4096xi1>, vector<64x4096xf32>
    %reduce_min3A_178 = arith.constant dense<0x7F800000> : vector<64xf32>
    %reduce_min3A_179 = vector.multi_reduction <minimumf>, %select_n3A_177, %reduce_min3A_178 [1] : vector<64x4096xf32> to vector<64xf32>
    %broadcast_in_dim3A_180 = vector.shape_cast %reduce_min3A_179 : vector<64xf32> to vector<64x1xf32>
    %le3A_181 = vector.broadcast %broadcast_in_dim3A_180 : vector<64x1xf32> to vector<64x4096xf32>
    %le3A_182 = arith.cmpf ole, %select_n3A_177, %le3A_181 : vector<64x4096xf32>
    %jit3A_183 = arith.constant 4.096000e+03 : f32
    %broadcast_in_dim3A_184 = vector.broadcast %jit3A_183 : f32 to vector<64x4096xf32>
    %select_n3A_185 = arith.select %le3A_182, %convert_element_type3A_49, %broadcast_in_dim3A_184 : vector<64x4096xi1>, vector<64x4096xf32>
    %reduce_min3A_186 = arith.constant dense<0x7F800000> : vector<64xf32>
    %reduce_min3A_187 = vector.multi_reduction <minimumf>, %select_n3A_185, %reduce_min3A_186 [1] : vector<64x4096xf32> to vector<64xf32>
    %broadcast_in_dim3A_188 = vector.shape_cast %reduce_min3A_187 : vector<64xf32> to vector<64x1xf32>
    %eq3A_189 = vector.broadcast %broadcast_in_dim3A_188 : vector<64x1xf32> to vector<64x4096xf32>
    %eq3A_190 = arith.cmpf oeq, %convert_element_type3A_49, %eq3A_189 : vector<64x4096xf32>
    %convert_element_type3A_191 = arith.extui %eq3A_190 : vector<64x4096xi1> to vector<64x4096xi32>
    %convert_element_type3A_192 = arith.sitofp %convert_element_type3A_191 : vector<64x4096xi32> to vector<64x4096xf32>
    %convert_element_type3A_193 = arith.truncf %convert_element_type3A_192 : vector<64x4096xf32> to vector<64x4096xbf16>
    %jit3A_194 = arith.constant 0x7F800000 : f32
    %broadcast_in_dim3A_195 = vector.broadcast %jit3A_194 : f32 to vector<64x4096xf32>
    %select_n3A_196 = arith.select %eq3A_190, %broadcast_in_dim3A_195, %select_n3A_177 : vector<64x4096xi1>, vector<64x4096xf32>
    %reduce_min3A_197 = arith.constant dense<0x7F800000> : vector<64xf32>
    %reduce_min3A_198 = vector.multi_reduction <minimumf>, %select_n3A_196, %reduce_min3A_197 [1] : vector<64x4096xf32> to vector<64xf32>
    %broadcast_in_dim3A_199 = vector.shape_cast %reduce_min3A_198 : vector<64xf32> to vector<64x1xf32>
    %le3A_200 = vector.broadcast %broadcast_in_dim3A_199 : vector<64x1xf32> to vector<64x4096xf32>
    %le3A_201 = arith.cmpf ole, %select_n3A_196, %le3A_200 : vector<64x4096xf32>
    %jit3A_202 = arith.constant 4.096000e+03 : f32
    %broadcast_in_dim3A_203 = vector.broadcast %jit3A_202 : f32 to vector<64x4096xf32>
    %select_n3A_204 = arith.select %le3A_201, %convert_element_type3A_49, %broadcast_in_dim3A_203 : vector<64x4096xi1>, vector<64x4096xf32>
    %reduce_min3A_205 = arith.constant dense<0x7F800000> : vector<64xf32>
    %reduce_min3A_206 = vector.multi_reduction <minimumf>, %select_n3A_204, %reduce_min3A_205 [1] : vector<64x4096xf32> to vector<64xf32>
    %broadcast_in_dim3A_207 = vector.shape_cast %reduce_min3A_206 : vector<64xf32> to vector<64x1xf32>
    %eq3A_208 = vector.broadcast %broadcast_in_dim3A_207 : vector<64x1xf32> to vector<64x4096xf32>
    %eq3A_209 = arith.cmpf oeq, %convert_element_type3A_49, %eq3A_208 : vector<64x4096xf32>
    %convert_element_type3A_210 = arith.extui %eq3A_209 : vector<64x4096xi1> to vector<64x4096xi32>
    %convert_element_type3A_211 = arith.sitofp %convert_element_type3A_210 : vector<64x4096xi32> to vector<64x4096xf32>
    %convert_element_type3A_212 = arith.truncf %convert_element_type3A_211 : vector<64x4096xf32> to vector<64x4096xbf16>
    %jit3A_213 = arith.constant 0x7F800000 : f32
    %broadcast_in_dim3A_214 = vector.broadcast %jit3A_213 : f32 to vector<64x4096xf32>
    %select_n3A_215 = arith.select %eq3A_209, %broadcast_in_dim3A_214, %select_n3A_196 : vector<64x4096xi1>, vector<64x4096xf32>
    %reduce_min3A_216 = arith.constant dense<0x7F800000> : vector<64xf32>
    %reduce_min3A_217 = vector.multi_reduction <minimumf>, %select_n3A_215, %reduce_min3A_216 [1] : vector<64x4096xf32> to vector<64xf32>
    %broadcast_in_dim3A_218 = vector.shape_cast %reduce_min3A_217 : vector<64xf32> to vector<64x1xf32>
    %le3A_219 = vector.broadcast %broadcast_in_dim3A_218 : vector<64x1xf32> to vector<64x4096xf32>
    %le3A_220 = arith.cmpf ole, %select_n3A_215, %le3A_219 : vector<64x4096xf32>
    %jit3A_221 = arith.constant 4.096000e+03 : f32
    %broadcast_in_dim3A_222 = vector.broadcast %jit3A_221 : f32 to vector<64x4096xf32>
    %select_n3A_223 = arith.select %le3A_220, %convert_element_type3A_49, %broadcast_in_dim3A_222 : vector<64x4096xi1>, vector<64x4096xf32>
    %reduce_min3A_224 = arith.constant dense<0x7F800000> : vector<64xf32>
    %reduce_min3A_225 = vector.multi_reduction <minimumf>, %select_n3A_223, %reduce_min3A_224 [1] : vector<64x4096xf32> to vector<64xf32>
    %broadcast_in_dim3A_226 = vector.shape_cast %reduce_min3A_225 : vector<64xf32> to vector<64x1xf32>
    %eq3A_227 = vector.broadcast %broadcast_in_dim3A_226 : vector<64x1xf32> to vector<64x4096xf32>
    %eq3A_228 = arith.cmpf oeq, %convert_element_type3A_49, %eq3A_227 : vector<64x4096xf32>
    %convert_element_type3A_229 = arith.extui %eq3A_228 : vector<64x4096xi1> to vector<64x4096xi32>
    %convert_element_type3A_230 = arith.sitofp %convert_element_type3A_229 : vector<64x4096xi32> to vector<64x4096xf32>
    %convert_element_type3A_231 = arith.truncf %convert_element_type3A_230 : vector<64x4096xf32> to vector<64x4096xbf16>
    %concatenate3A = tpu.concatenate %broadcast_in_dim3A_56, %broadcast_in_dim3A_74, %broadcast_in_dim3A_93, %broadcast_in_dim3A_112, %broadcast_in_dim3A_131, %broadcast_in_dim3A_150, %broadcast_in_dim3A_169, %broadcast_in_dim3A_188, %broadcast_in_dim3A_207, %broadcast_in_dim3A_226 in 0 : vector<64x1xf32>, vector<64x1xf32>, vector<64x1xf32>, vector<64x1xf32>, vector<64x1xf32>, vector<64x1xf32>, vector<64x1xf32>, vector<64x1xf32>, vector<64x1xf32>, vector<64x1xf32> -> vector<640x1xf32>
    %convert_element_type3A_232 = arith.fptosi %concatenate3A : vector<640x1xf32> to vector<640x1xi32>
    %reshape3A = vector.shape_cast %convert_element_type3A_232 : vector<640x1xi32> to vector<1x640xi32>
    %mul3A_233 = arith.constant 4096 : i32
    %mul3A_234 = arith.muli %arg0, %mul3A_233 : i32
    %add3A_235 = vector.broadcast %mul3A_234 : i32 to vector<1x640xi32>
    %add3A_236 = arith.addi %reshape3A, %add3A_235 : vector<1x640xi32>
    %swap3A = arith.constant 0 : index
    %swap3A_237 = arith.constant 0 : index
    %swap3A_238 = arith.constant 0 : index
    %swap3A_239 = vector.load %arg5[%swap3A, %swap3A_237, %swap3A_238] : memref<1x1x640xi32, #tpu.memory_space<vmem>>, vector<1x1x640xi32>
    %swap3A_240 = vector.shape_cast %swap3A_239 : vector<1x1x640xi32> to vector<1x640xi32>
    %swap3A_241 = vector.shape_cast %add3A_236 : vector<1x640xi32> to vector<1x1x640xi32>
    tpu.vector_store %arg5[%swap3A, %swap3A_237, %swap3A_238], %swap3A_241 {strides = array<i32>} : memref<1x1x640xi32, #tpu.memory_space<vmem>>, vector<1x1x640xi32>,
    %concatenate3A_242 = tpu.concatenate %convert_element_type3A_60, %convert_element_type3A_79, %convert_element_type3A_98, %convert_element_type3A_117, %convert_element_type3A_136, %convert_element_type3A_155, %convert_element_type3A_174, %convert_element_type3A_193, %convert_element_type3A_212, %convert_element_type3A_231 in 0 : vector<64x4096xbf16>, vector<64x4096xbf16>, vector<64x4096xbf16>, vector<64x4096xbf16>, vector<64x4096xbf16>, vector<64x4096xbf16>, vector<64x4096xbf16>, vector<64x4096xbf16>, vector<64x4096xbf16>, vector<64x4096xbf16> -> vector<640x4096xbf16>
    %dot_general3A_243 = arith.constant dense<0.000000e+00> : vector<640x3xf32>
    %dot_general3A_244 = tpu.matmul %concatenate3A_242, %get3A_4, %dot_general3A_243 {dimension_numbers = #tpu.dot_dimension_numbers<[1], [0], [0], [1], [0, 0, 1, 1], [], []>, transpose_lhs_hint = false} : vector<640x4096xbf16>, vector<4096x3xbf16>, vector<640x3xf32> -> vector<640x3xf32>
    %concatenate3A_245 = tpu.concatenate %dot_general3A_16, %dot_general3A_16, %dot_general3A_16, %dot_general3A_16, %dot_general3A_16, %dot_general3A_16, %dot_general3A_16, %dot_general3A_16, %dot_general3A_16, %dot_general3A_16 in 0 : vector<64x3xf32>, vector<64x3xf32>, vector<64x3xf32>, vector<64x3xf32>, vector<64x3xf32>, vector<64x3xf32>, vector<64x3xf32>, vector<64x3xf32>, vector<64x3xf32>, vector<64x3xf32> -> vector<640x3xf32>
    %sub3A_246 = arith.subf %dot_general3A_244, %concatenate3A_245 : vector<640x3xf32>
    %swap3A_247 = arith.constant 0 : index
    %swap3A_248 = arith.constant 0 : index
    %swap3A_249 = arith.constant 0 : index
    %swap3A_250 = vector.load %arg6[%swap3A_247, %swap3A_248, %swap3A_249] : memref<1x640x3xf32, #tpu.memory_space<vmem>>, vector<1x640x3xf32>
    %swap3A_251 = vector.shape_cast %swap3A_250 : vector<1x640x3xf32> to vector<640x3xf32>
    %swap3A_252 = vector.shape_cast %sub3A_246 : vector<640x3xf32> to vector<1x640x3xf32>
    tpu.vector_store %arg6[%swap3A_247, %swap3A_248, %swap3A_249], %swap3A_252 {strides = array<i32>} : memref<1x640x3xf32, #tpu.memory_space<vmem>>, vector<1x640x3xf32>,
    return
  }
  func.func @transform_0(%arg0: i32) -> (i32, i32) {
    %c0_i32 = arith.constant 0 : i32
    %c0_i32_0 = arith.constant 0 : i32
    return %arg0, %c0_i32 : i32, i32
  }
  func.func @transform_1(%arg0: i32) -> (i32, i32) {
    %c0_i32 = arith.constant 0 : i32
    %c0_i32_0 = arith.constant 0 : i32
    return %arg0, %c0_i32 : i32, i32
  }
  func.func @transform_2(%arg0: i32) -> (i32, i32, i32) {
    %c0_i32 = arith.constant 0 : i32
    %c0_i32_0 = arith.constant 0 : i32
    %c0_i32_1 = arith.constant 0 : i32
    return %arg0, %c0_i32, %c0_i32_0 : i32, i32, i32
  }
  func.func @transform_3(%arg0: i32) -> (i32, i32) {
    %c0_i32 = arith.constant 0 : i32
    %c0_i32_0 = arith.constant 0 : i32
    %c0_i32_1 = arith.constant 0 : i32
    return %c0_i32, %c0_i32_0 : i32, i32
  }
  func.func @transform_4(%arg0: i32) -> (i32, i32, i32) {
    %c0_i32 = arith.constant 0 : i32
    %c0_i32_0 = arith.constant 0 : i32
    %c0_i32_1 = arith.constant 0 : i32
    return %arg0, %c0_i32, %c0_i32_0 : i32, i32, i32
  }
  func.func @transform_5(%arg0: i32) -> (i32, i32, i32) {
    %c0_i32 = arith.constant 0 : i32
    %c0_i32_0 = arith.constant 0 : i32
    %c0_i32_1 = arith.constant 0 : i32
    return %arg0, %c0_i32, %c0_i32_0 : i32, i32, i32
  }
}

module attributes {stable_mosaic.version = 14 : i64} {
  func.func @_extract_body(%arg0: i32, %arg1: memref<1x640x256xf32, #tpu.memory_space<vmem>>, %arg2: memref<1x640x3xf32, #tpu.memory_space<vmem>>, %arg3: memref<256x256xbf16, #tpu.memory_space<vmem>>, %arg4: memref<3x256xbf16, #tpu.memory_space<vmem>>, %arg5: memref<1x64x256xf32, #tpu.memory_space<vmem>>) attributes {dimension_semantics = [#tpu.dimension_semantics<arbitrary>], iteration_bounds = array<i64: 16>, scalar_prefetch = 0 : i64, scratch_operands = 0 : i64, tpu.core_type = #tpu.core_type<tc>, window_params = [{transform_indices = @transform_0, window_bounds = array<i64: 1, 640, 256>}, {transform_indices = @transform_1, window_bounds = array<i64: 1, 640, 3>}, {pipeline_mode = #tpu.pipeline_mode<synchronous>, transform_indices = @transform_2, window_bounds = array<i64: 256, 256>}, {pipeline_mode = #tpu.pipeline_mode<synchronous>, transform_indices = @transform_3, window_bounds = array<i64: 3, 256>}, {transform_indices = @transform_4, window_bounds = array<i64: 1, 64, 256>}]} {
    %get3A = arith.constant 0 : index
    %get3A_0 = arith.constant 0 : index
    %get3A_1 = arith.constant 0 : index
    %get3A_2 = vector.load %arg1[%get3A, %get3A_0, %get3A_1] : memref<1x640x256xf32, #tpu.memory_space<vmem>>, vector<1x640x256xf32>
    %get3A_3 = vector.shape_cast %get3A_2 : vector<1x640x256xf32> to vector<640x256xf32>
    %convert_element_type3A = arith.truncf %get3A_3 : vector<640x256xf32> to vector<640x256xbf16>
    %get3A_4 = arith.constant 0 : index
    %get3A_5 = arith.constant 0 : index
    %get3A_6 = arith.constant 0 : index
    %get3A_7 = vector.load %arg2[%get3A_4, %get3A_5, %get3A_6] : memref<1x640x3xf32, #tpu.memory_space<vmem>>, vector<1x640x3xf32>
    %get3A_8 = vector.shape_cast %get3A_7 : vector<1x640x3xf32> to vector<640x3xf32>
    %convert_element_type3A_9 = arith.truncf %get3A_8 : vector<640x3xf32> to vector<640x3xbf16>
    %get3A_10 = arith.constant 0 : index
    %get3A_11 = arith.constant 0 : index
    %get3A_12 = vector.load %arg3[%get3A_10, %get3A_11] : memref<256x256xbf16, #tpu.memory_space<vmem>>, vector<256x256xbf16>
    %dot_general3A = arith.constant dense<0.000000e+00> : vector<640x256xf32>
    %dot_general3A_13 = tpu.matmul %convert_element_type3A, %get3A_12, %dot_general3A {dimension_numbers = #tpu.dot_dimension_numbers<[1], [0], [0], [1], [0, 0, 1, 1], [], []>, transpose_lhs_hint = false} : vector<640x256xbf16>, vector<256x256xbf16>, vector<640x256xf32> -> vector<640x256xf32>
    %get3A_14 = arith.constant 0 : index
    %get3A_15 = arith.constant 0 : index
    %get3A_16 = vector.load %arg4[%get3A_14, %get3A_15] : memref<3x256xbf16, #tpu.memory_space<vmem>>, vector<3x256xbf16>
    %dot_general3A_17 = arith.constant dense<0.000000e+00> : vector<640x256xf32>
    %dot_general3A_18 = tpu.matmul %convert_element_type3A_9, %get3A_16, %dot_general3A_17 {dimension_numbers = #tpu.dot_dimension_numbers<[1], [0], [0], [1], [0, 0, 1, 1], [], []>, transpose_lhs_hint = false} : vector<640x3xbf16>, vector<3x256xbf16>, vector<640x256xf32> -> vector<640x256xf32>
    %add3A = arith.addf %dot_general3A_13, %dot_general3A_18 : vector<640x256xf32>
    %max3A = arith.constant 0.000000e+00 : f32
    %max3A_19 = vector.broadcast %max3A : f32 to vector<640x256xf32>
    %max3A_20 = arith.maximumf %add3A, %max3A_19 : vector<640x256xf32>
    %reshape3A = vector.shape_cast %max3A_20 : vector<640x256xf32> to vector<10x64x256xf32>
    %reduce_sum3A = arith.constant dense<0.000000e+00> : vector<64x256xf32>
    %reduce_sum3A_21 = vector.multi_reduction <add>, %reshape3A, %reduce_sum3A [0] : vector<10x64x256xf32> to vector<64x256xf32>
    %mul3A = arith.constant 1.000000e-01 : f32
    %mul3A_22 = vector.broadcast %mul3A : f32 to vector<64x256xf32>
    %mul3A_23 = arith.mulf %reduce_sum3A_21, %mul3A_22 : vector<64x256xf32>
    %swap3A = arith.constant 0 : index
    %swap3A_24 = arith.constant 0 : index
    %swap3A_25 = arith.constant 0 : index
    %swap3A_26 = vector.load %arg5[%swap3A, %swap3A_24, %swap3A_25] : memref<1x64x256xf32, #tpu.memory_space<vmem>>, vector<1x64x256xf32>
    %swap3A_27 = vector.shape_cast %swap3A_26 : vector<1x64x256xf32> to vector<64x256xf32>
    %swap3A_28 = vector.shape_cast %mul3A_23 : vector<64x256xf32> to vector<1x64x256xf32>
    tpu.vector_store %arg5[%swap3A, %swap3A_24, %swap3A_25], %swap3A_28 {strides = array<i32>} : memref<1x64x256xf32, #tpu.memory_space<vmem>>, vector<1x64x256xf32>,
    return
  }
  func.func @transform_0(%arg0: i32) -> (i32, i32, i32) {
    %c0_i32 = arith.constant 0 : i32
    %c0_i32_0 = arith.constant 0 : i32
    %c0_i32_1 = arith.constant 0 : i32
    return %arg0, %c0_i32, %c0_i32_0 : i32, i32, i32
  }
  func.func @transform_1(%arg0: i32) -> (i32, i32, i32) {
    %c0_i32 = arith.constant 0 : i32
    %c0_i32_0 = arith.constant 0 : i32
    %c0_i32_1 = arith.constant 0 : i32
    return %arg0, %c0_i32, %c0_i32_0 : i32, i32, i32
  }
  func.func @transform_2(%arg0: i32) -> (i32, i32) {
    %c0_i32 = arith.constant 0 : i32
    %c0_i32_0 = arith.constant 0 : i32
    %c0_i32_1 = arith.constant 0 : i32
    return %c0_i32, %c0_i32_0 : i32, i32
  }
  func.func @transform_3(%arg0: i32) -> (i32, i32) {
    %c0_i32 = arith.constant 0 : i32
    %c0_i32_0 = arith.constant 0 : i32
    %c0_i32_1 = arith.constant 0 : i32
    return %c0_i32, %c0_i32_0 : i32, i32
  }
  func.func @transform_4(%arg0: i32) -> (i32, i32, i32) {
    %c0_i32 = arith.constant 0 : i32
    %c0_i32_0 = arith.constant 0 : i32
    %c0_i32_1 = arith.constant 0 : i32
    return %arg0, %c0_i32, %c0_i32_0 : i32, i32, i32
  }
}

</mosaic_0001>

<sc_bundles>
// kernel: kernel.5.cloned.1.call-start
scs
__scs_entry_jumppad:
0x0: {  	(pc) =	sbr.rel $0x88, $3  }
0x1: {  	(tag) =	ssettag $0x0;
	lr =	simm.s32 $0x1  }
0x2: {  	[smem:$0x3F9D] =	sst lr;
	_ =	strace $0xD0000000  }
0x3: {  	_ = 	snop  }
0x4: {  	_ = 	snop  }
0x5: {  	_ = 	snop  }
0x6: {  	_ = 	snop  }
0x7: {  	_ = 	snop  }
__scs_overlays_trampoline_lowered:
0x8: {  	[smem:$0x3FAC] =	sst s0  }
0x9: {  	[smem:$0x3FAD] =	sst s1  }
0xa: {  	[smem:$0x3FAE] =	sst s2  }
0xb: {  	[smem:$0x3FAF] =	sst s3  }
0xc: {  	[smem:$0x3FB0] =	sst s4  }
0xd: {  	[smem:$0x3FB1] =	sst s5  }
0xe: {  	[smem:$0x3FB2] =	sst s6  }
0xf: {  	[smem:$0x3FB3] =	sst s7  }
0x10: {  	[smem:$0x3FB4] =	sst s8  }
0x11: {  	[smem:$0x3FB5] =	sst s9;
	s0 =	simm.s32 @!p0 $0x0  }
0x12: {  	s1 =	sld [smem:$0x3F9B];
	s0 =	simm.s32 @p0 $0x1  }
0x13: {  	[smem:$0x3FB6] =	sst s0;
	s0 =	simm.s32 @!p1 $0x0  }
0x14: {  	s2 =	sld [smem:$0x3F9A];
	s0 =	simm.s32 @p1 $0x1  }
0x15: {  	[smem:$0x3FB7] =	sst s0;
	s0 =	simm.s32 @!p2 $0x0  }
0x16: {  	s3 =	sld [smem:$0x3FDB];
	s0 =	simm.s32 @p2 $0x1  }
0x17: {  	s4 =	simm.s32 $0x1BF5;
	[smem:$0x3FB9] =	sst s0  }
0x18: {  	s0 =	sld [smem:$0x3F9C];
	_ =	swait.ge [sflag:s4], $0x0  }
0x19: {  	s7 =	sld [smem:$0x3F9D]  }
0x1a: {  	s8 =	sadd.s32 $0xFFFFE003, lr  }
0x1b: {  	s9 =	sadd.s32 $0xFFFFFEF7, lr;
	s5 =	simm.s32 $0xFFFFFFFF;
	p2 =	slt.u32 s8, $0xFFFFF086  }
0x1c: {  	p1 =	slt.u32 s9, $0xF7A;
	s5 =	simm.s32 @!p2 $0x0  }
0x1d: {  	s5 =	simm.s32 @p1 $0x1;
	p0 =	seq.s32 s7, s2  }
0x1e: {  	s7 =	smul.u32 @!p0 $0xF7A, s2;
	p2 =	seq.s32 @!p0 s5, $0x0  }
0x1f: {  	s9 =	smul.u32 $0xF7A, s1;
	s8 =	simm.s32 @!p0 $0x1BF5;
	p2 =	por !p2, p0  }
0x20: {  	[sflag:s8] =	ssyncset.s32 @!p0 $0xFFFFF086;
	s6 =	sadd.s32 @!p0 s3, s7;
	s7 =	simm.s32 @!p0 $0x108  }
0x21: {  	s3 =	sadd.s32 s3, s9;
	s6 =	sadd.s32 @!p0 $0x88, s6;
	s7 =	simm.s32 @p2 $0x1082  }
0x22: {  	[simem:s7], [sflag:s8] =	dma.local @!p0 [hbm:s6], $0xF7A  }
0x23: {  	s9 =	sor.u32 $0xD0000000, s2;
	s6 =	simm.s32 $0x108;
	_ =	swait.ge @!p0 [sflag:s8], $0x0  }
0x24: {  	s3 =	sadd.s32 $0x88, s3;
	s6 =	simm.s32 @!p1 $0x1082;
	[sflag:s4] =	ssyncset.s32 $0xFFFFF086  }
0x25: {  	[simem:s6], [sflag:s4] =	dma.local [hbm:s3], $0xF7A  }
0x26: {  	[smem:$0x3F9D] =	sst s1;
	(tag) =	ssettag s2;
	_ =	strace s9  }
0x27: {  	s1 =	sld [smem:$0x3FAD]  }
0x28: {  	s2 =	sld [smem:$0x3FAE]  }
0x29: {  	s4 =	sld [smem:$0x3FB0]  }
0x2a: {  	p0 =	seq.s32 s5, $0x0;
	s5 =	sld [smem:$0x3FB1]  }
0x2b: {  	s6 =	sld [smem:$0x3FB2]  }
0x2c: {  	s7 =	sld [smem:$0x3FB3]  }
0x2d: {  	s3 =	simm.s32 $0x108;
	s8 =	sld [smem:$0x3FB4]  }
0x2e: {  	s3 =	simm.s32 @!p0 $0x1082;
	s9 =	sld [smem:$0x3FB5]  }
0x2f: {  	lr =	sadd.s32 s0, s3;
	s0 =	sld [smem:$0x3FAC]  }
0x30: {  	s3 =	sld [smem:$0x3FAF]  }
0x31: {  	[smem:$0x3FB8] =	sst s10  }
0x32: {  	s10 =	sld [smem:$0x3FB6];
	_ =	sdelay $0x3  }
0x33: {  	p0 =	seq.s32 s10, $0x1;
	s10 =	sld [smem:$0x3FB8];
	_ =	sdelay $0x3  }
0x34: {  	[smem:$0x3FB8] =	sst s10  }
0x35: {  	s10 =	sld [smem:$0x3FB7];
	_ =	sdelay $0x3  }
0x36: {  	p1 =	seq.s32 s10, $0x1;
	s10 =	sld [smem:$0x3FB8];
	_ =	sdelay $0x3  }
0x37: {  	[smem:$0x3FB8] =	sst s10  }
0x38: {  	s10 =	sld [smem:$0x3FB9]  }
0x39: {  	_ = 	snop;
	(pc) =	sbr.ind lr, $3  }
0x3a: {  	_ = 	snop  }
0x3b: {  	_ = 	snop  }
0x3c: {  	p2 =	seq.s32 s10, $0x1;
	s10 =	sld [smem:$0x3FB8]  }
0x3d: {  	_ =	shalt  }
0x3e: {  	_ =	shalt  }
0x3f: {  	_ =	shalt  }
0x40: {  	_ =	shalt  }
0x41: {  	_ =	shalt  }
0x42: {  	_ =	shalt  }
0x43: {  	_ =	shalt  }
0x44: {  	_ =	shalt  }
0x45: {  	_ =	shalt  }
0x46: {  	_ =	shalt  }
0x47: {  	_ =	shalt  }
0x48: {  	_ =	shalt  }
0x49: {  	_ =	shalt  }
0x4a: {  	_ =	shalt  }
0x4b: {  	_ =	shalt  }
0x4c: {  	_ =	shalt  }
0x4d: {  	_ =	shalt  }
0x4e: {  	_ =	shalt  }
0x4f: {  	_ =	shalt  }
0x50: {  	_ =	shalt  }
0x51: {  	_ =	shalt  }
0x52: {  	_ =	shalt  }
0x53: {  	_ =	shalt  }
0x54: {  	_ =	shalt  }
0x55: {  	_ =	shalt  }
0x56: {  	_ =	shalt  }
0x57: {  	_ =	shalt  }
0x58: {  	_ =	shalt  }
0x59: {  	_ =	shalt  }
0x5a: {  	_ =	shalt  }
0x5b: {  	_ =	shalt  }
0x5c: {  	_ =	shalt  }
0x5d: {  	_ =	shalt  }
0x5e: {  	_ =	shalt  }
0x5f: {  	_ =	shalt  }
0x60: {  	_ =	shalt  }
0x61: {  	_ =	shalt  }
0x62: {  	_ =	shalt  }
0x63: {  	_ =	shalt  }
0x64: {  	_ =	shalt  }
0x65: {  	_ =	shalt  }
0x66: {  	_ =	shalt  }
0x67: {  	_ =	shalt  }
0x68: {  	_ =	shalt  }
0x69: {  	_ =	shalt  }
0x6a: {  	_ =	shalt  }
0x6b: {  	_ =	shalt  }
0x6c: {  	_ =	shalt  }
0x6d: {  	_ =	shalt  }
0x6e: {  	_ =	shalt  }
0x6f: {  	_ =	shalt  }
0x70: {  	_ =	shalt  }
0x71: {  	_ =	shalt  }
0x72: {  	_ =	shalt  }
0x73: {  	_ =	shalt  }
0x74: {  	_ =	shalt  }
0x75: {  	_ =	shalt  }
0x76: {  	_ =	shalt  }
0x77: {  	_ =	shalt  }
0x78: {  	_ =	shalt  }
0x79: {  	_ =	shalt  }
0x7a: {  	_ =	shalt  }
0x7b: {  	_ =	shalt  }
0x7c: {  	_ =	shalt  }
0x7d: {  	_ =	shalt  }
0x7e: {  	_ =	shalt  }
0x7f: {  	_ =	shalt  }
0x80: {  	_ =	shalt  }
0x81: {  	_ =	shalt  }
0x82: {  	_ =	shalt  }
0x83: {  	_ =	shalt  }
0x84: {  	_ =	shalt  }
0x85: {  	_ =	shalt  }
0x86: {  	_ =	shalt  }
0x87: {  	_ =	shalt  }
.Lfunc_end0:
.L_simem_size_0:
called_computation_lowered:
.L_overlay_start_0:
0x88: {  	s2 =	sld [smem:$0x3FD9]  }
0x89: {  	s3 =	sld [smem:$0x3FFE];
	_ =	sdelay $0x1  }
0x8a: {  	s1 =	srdreg.scid  }
0x8b: {  	s0 =	sand.u32 $0x1, s1  }
0x8c: {  	s17 =	sshll.u32 s0, $0xA;
	s2 =	sadd.s32 s3, s2  }
0x8d: {  	s2 =	sadd.s32 s2, s17  }
0x8e: {  	[smem:$0x3FC4] =	sst s2  }
0x8f: {  	_ = 	snop  }
0x90: {  	s2 =	sld [smem:$0x3FC9]  }
0x91: {  	s18 =	sld [smem:$0x3FD0];
	(tm) =	ssettm $0x1  }
0x92: {  	s4 =	sld [smem:$0x3FFB];
	_ =	sdelay $0x3  }
0x93: {  	_ =	strace s4  }
0x94: {  	s4 =	sld [smem:$0x3FFC];
	_ =	sdelay $0x3  }
0x95: {  	_ =	strace s4  }
0x96: {  	s4 =	sld [smem:$0x3FFD];
	_ =	sdelay $0x3  }
0x97: {  	_ =	strace s4  }
0x98: {  	_ =	strace $0x8FFFFFFF  }
0x99: {  	s19 =	sld [smem:$0x3FDB];
	_ =	sdelay $0x1  }
0x9a: {  	s5 =	simm.s32 $_scs_section_size  }
0x9b: {  	s6 =	simm.s32 $_size__tile_overlayer_lowered;
	s7 =	simm.s32 $_tile_overlayer_lowered  }
0x9c: {  	s22 =	simm.s32 $0x1BFF;
	s21 =	sshll.u32 s7, $0x1;
	s4 =	sadd.s32 s5, s19  }
0x9d: {  	s8 =	simm.s32 $0x0;
	s20 =	sshll.u32 s6, $0x1;
	s6 =	sadd.s32 s21, s4  }
0x9e: {  	[timem:s8], [sflag:s22] =	dma.local [hbm:s6], s20  }
0x9f: {  	_ =	swait.ge [sflag:s22], s20  }
0xa0: {  	s5 =	ssub.s32 $0x0, s20;
	[sflag:s22] =	ssyncset.done $0x0  }
0xa1: {  	[sflag:s22] =	ssyncadd.s32 s5;
	_ =	sdelay $0x1  }
0xa2: {  	s23 =	simm.s32 $0x1B8B  }
0xa3: {  	_ =	swait.ge [sflag:s23], $0x1  }
0xa4: {  	[sflag:s23] =	ssyncset.done $0x0  }
0xa5: {  	s25 =	simm.s32 $0x1B8E;
	s24 =	sld [smem:$0x3FFE];
	[sflag:s23] =	ssyncadd.s32 $0xFFFFFFFF  }
0xa6: {  	s26 =	simm.s32 $execute0_lowered;
	[smem:$0x3FD2] =	sst s25  }
0xa7: {  	s6 =	sshll.u32 s26, $0x1;
	_ =	strace $0x80000046;
	[dreg:$0x1] =	wrdreg $0xFFFFFFFF  }
0xa8: {  	s28 =	simm.s32 $_size_execute0_lowered;
	s4 =	sadd.s32 s4, s6;
	[dreg:$0x0] =	wrdreg $0x0  }
0xa9: {  	s6 =	sshll.u32 s28, $0x1;
	[dreg:$0x2] =	wrdreg s4  }
0xaa: {  	[dreg:$0x3] =	wrdreg s6  }
0xab: {  	[dreg:$0x4] =	wrdreg $0xC0  }
0xac: {  	_ =	task [dreg:s8], $0x5FFFF  }
0xad: {  	[dreg:$0x1] =	wrdreg $0xFFFFFFFF  }
0xae: {  	[dreg:$0x0] =	wrdreg $0x60  }
0xaf: {  	[dreg:$0x2] =	wrdreg s2  }
0xb0: {  	[dreg:$0x3] =	wrdreg s18  }
0xb1: {  	[dreg:$0x4] =	wrdreg s24  }
0xb2: {  	[dreg:$0x5] =	wrdreg $0x9  }
0xb3: {  	_ =	task.clear_ibuf [dreg:s8], $0x6FFFF;
	_ =	strace $0x90000046  }
0xb4: {  	s29 =	simm.s32 $0x9;
	_ =	strace $0x80000048  }
0xb5: {  	_ =	swait.ge [sflag:s29], $0x1  }
0xb6: {  	[sflag:s29] =	ssyncadd.s32 $0xFFFFFFFF  }
0xb7: {  	_ =	strace $0x90000048  }
0xb8: {  	_ =	sfence  }
0xb9: {  	s30 =	sld [smem:$0x0];
	_ =	sdelay $0x2  }
0xba: {  	s31 =	sshll.u32 s1, $0xD;
	s1 =	sshrl.u32 s1, $0x2  }
0xbb: {  	s3 =	sand.u32 $0x4000, s31;
	s1 =	sadd.s32 s1, s30  }
0xbc: {  	s0 =	sor.u32 s3, s0;
	s1 =	sshll.u32 s1, $0x11  }
0xbd: {  	s0 =	sor.u32 s1, s0  }
0xbe: {  	s0 =	sadd.s32 $0x8F2B, s0  }
0xbf: {  	[sflag:s0] =	ssyncadd.remote.s32 $0x1  }
0xc0: {  	_ =	sfence.sel $0xFFFF  }
0xc1: {  	[dreg:$0x0] =	wrdreg $0xFFFFFFFF;
	(pc) =	sbr.abs _section_cstart, $3  }
0xc2: {  	[dreg:$0x1] =	wrdreg $0xFFFFFFFF  }
0xc3: {  	_ =	task.clear_ibuf [dreg:s8], $0x2FFFF;
	_ =	strace $0x9FFFFFFF  }
0xc4: {  	(tm) =	ssettm $0x7FFFFFFF  }
0xc5: {  	_ =	shalt  }
tec
execute0_lowered:
.L_overlay_start_1:
0x0: {  	(tag) =	ssettag $0x1  }
0x1: {  	s2 =	srdreg.scid  }
0x2: {  	s0 =	stileid.u32;
	s1 =	rddreg [dreg:$0x0]  }
0x3: {  	s4 =	rddreg [dreg:$0x1];
	s2 =	sand.u32 $0x1, s2;
	s3 =	sshll.u32 s0, $0x1  }
0x4: {  	s6 =	rddreg [dreg:$0x2];
	s5 =	sor.u32 s2, s3;
	s3 =	simm.s32 $0x0  }
0x5: {  	s11 =	simm.s32 $0x980;
	[smem:$0x7FF] =	sst s3  }
0x6: {  	s12 =	simm.s32 $0x1180;
	_ =	strace $0x80000047;
	[dreg:$0x6] =	wrdreg s11  }
0x7: {  	s13 =	simm.s32 $0x1980;
	[dreg:$0x7] =	wrdreg s12  }
0x8: {  	s14 =	simm.s32 $0x2180;
	[dreg:$0x8] =	wrdreg s13  }
0x9: {  	s15 =	simm.s32 $0x2980;
	s16 =	simm.s32 $0x3180;
	[dreg:$0x9] =	wrdreg s14  }
0xa: {  	s17 =	simm.s32 $0x3980;
	s18 =	simm.s32 $0x4180;
	[dreg:$0xa] =	wrdreg s15  }
0xb: {  	s19 =	simm.s32 $0x4980;
	s20 =	simm.s32 $0x5180;
	[dreg:$0xb] =	wrdreg s16  }
0xc: {  	s21 =	simm.s32 $0x5980;
	s23 =	simm.s32 $0x6180;
	[dreg:$0xc] =	wrdreg s17  }
0xd: {  	s24 =	simm.s32 $0x6980;
	s25 =	simm.s32 $0x7180;
	[dreg:$0xd] =	wrdreg s18  }
0xe: {  	s26 =	simm.s32 $0x7980;
	s8 =	simm.s32 $0x8980;
	[dreg:$0xe] =	wrdreg s19  }
0xf: {  	s9 =	simm.s32 $0x9180;
	s28 =	simm.s32 $0x12180;
	[dreg:$0xf] =	wrdreg s20  }
0x10: {  	s29 =	simm.s32 $0x12980;
	s30 =	simm.s32 $0x13180;
	[dreg:$0x10] =	wrdreg s21  }
0x11: {  	s31 =	simm.s32 $0x13980;
	s2 =	ssub.s32 $0x2, s2;
	[dreg:$0x11] =	wrdreg s23  }
0x12: {  	s7 =	smul.u32 $0x2800, s5;
	s22 =	sshrl.u32 s2, $0x1;
	[dreg:$0x12] =	wrdreg s24  }
0x13: {  	s5 =	smul.u32 $0x28, s5;
	s2 =	ssub.s32 s2, s22;
	[dreg:$0x13] =	wrdreg s25  }
0x14: {  	[dreg:$0x14] =	wrdreg s26;
	s11 =	simm.s32 $0xA180;
	s12 =	simm.s32 $0xA980  }
0x15: {  	s13 =	simm.s32 $0xB180;
	s14 =	simm.s32 $0xB980;
	s15 =	simm.s32 $0xC180  }
0x16: {  	s16 =	simm.s32 $0xC980;
	s17 =	simm.s32 $0xD180;
	s18 =	simm.s32 $0xD980  }
0x17: {  	s19 =	simm.s32 $0xE180;
	s20 =	simm.s32 $0xE980;
	s21 =	simm.s32 $0xF180  }
0x18: {  	s22 =	simm.s32 $0xF980;
	s23 =	simm.s32 $0x10180;
	s24 =	simm.s32 $0x10980  }
0x19: {  	s25 =	simm.s32 $0x11180;
	s26 =	simm.s32 $0x11980;
	s4 =	sadd.s32 s4, s5  }
0x1a: {  	v2 =	vlaneseq.u32;
	s6 =	sadd.s32 s7, s6;
	s5 =	simm.s32 $0x2;
	[dreg:$0x4] =	wrdreg s4  }
0x1b: {  	vm0 =	vmmov $0xffff;
	v1 =	vshrl.u32 v2, $0x3;
	s10 =	sadd.s32 $0xE00, s6;
	s4 =	smax.u32 s2, $0x1;
	s6 =	simm.s32 $0x180  }
0x1c: {  	v0 =	vand.u32 $0x7, v2;
	v2 =	vor.u32 $0x8, v2;
	v1 =	vmul.u32 $0x8, v1;
	s2 =	simm.s32 $0x1;
	[dreg:$0x5] =	wrdreg s10;
	s10 =	simm.s32 $0x9980  }
.LBB2_1:
0x1d: {  	s0 =	rddreg [dreg:$0x4]  }
0x1e: {  	[tilespmem:s3], [sflag:$0x2] =	stream.linear.gather [hbm4b:s0+s3], $0x140, $0x38;
	[tilespmem:$0x14180] =	vst v63  }
0x1f: {  	_ =	swait.ge [sflag:s5], $0x140  }
0x20: {  	[sflag:s5] =	ssyncset.done $0x0  }
0x21: {  	[sflag:s5] =	ssyncadd.s32 $0xFFFFFEC0  }
0x22: {  	v3 =	vld [tilespmem:$0x0];
	_ =	sdelay $0x4  }
0x23: {  	v4 =	vshll.u32 v3, $0x1  }
0x24: {  	v3 =	vand.u32 $0x7, v3;
	v4 =	vand.u32 $0xFFFFFFF0, v4  }
0x25: {  	v3 =	vor.u32 v3, v4  }
0x26: {  	v4 =	vperm.xlane v3, v0;
	_ =	sdelay $0x1  }
0x27: {  	v3 =	vperm.xlane v3, v2;
	v4 =	vadd.s32 v1, v4;
	_ =	sdelay $0x1  }
0x28: {  	v3 =	vadd.s32 v1, v3;
	_ =	sdelay $0x2  }
0x29: {  	[tilespmem:s6], [sflag:$0x1] =	stream.indirect_vreg.gather [hbm4b:s1+s3], $0x80, v4, vm0, $0xb8;
	[tilespmem:$0x14180] =	vst v63  }
0x2a: {  	s7 =	rddreg [dreg:$0x6]  }
0x2b: {  	[tilespmem:s7], [sflag:$0x1] =	stream.indirect_vreg.gather [hbm4b:s1+s3], $0x80, v3, vm0, $0xb8;
	[tilespmem:$0x14180] =	vst v63  }
0x2c: {  	v3 =	vld [tilespmem:$0x10];
	_ =	sdelay $0x4  }
0x2d: {  	v45 =	vshll.u32 v3, $0x1  }
0x2e: {  	v3 =	vand.u32 $0x7, v3;
	v4 =	vand.u32 $0xFFFFFFF0, v45  }
0x2f: {  	v3 =	vor.u32 v3, v4  }
0x30: {  	v4 =	vperm.xlane v3, v0;
	_ =	sdelay $0x1  }
0x31: {  	v3 =	vperm.xlane v3, v2;
	v4 =	vadd.s32 v1, v4;
	_ =	sdelay $0x1  }
0x32: {  	v3 =	vadd.s32 v1, v3;
	_ =	sdelay $0x1  }
0x33: {  	s0 =	rddreg [dreg:$0x7]  }
0x34: {  	[tilespmem:s0], [sflag:$0x1] =	stream.indirect_vreg.gather [hbm4b:s1+s3], $0x80, v4, vm0, $0xb8;
	[tilespmem:$0x14180] =	vst v63  }
0x35: {  	s7 =	rddreg [dreg:$0x8]  }
0x36: {  	[tilespmem:s7], [sflag:$0x1] =	stream.indirect_vreg.gather [hbm4b:s1+s3], $0x80, v3, vm0, $0xb8;
	[tilespmem:$0x14180] =	vst v63  }
0x37: {  	v3 =	vld [tilespmem:$0x20];
	_ =	sdelay $0x4  }
0x38: {  	v46 =	vshll.u32 v3, $0x1  }
0x39: {  	v3 =	vand.u32 $0x7, v3;
	v4 =	vand.u32 $0xFFFFFFF0, v46  }
0x3a: {  	v3 =	vor.u32 v3, v4  }
0x3b: {  	v4 =	vperm.xlane v3, v0;
	_ =	sdelay $0x1  }
0x3c: {  	v3 =	vperm.xlane v3, v2;
	v4 =	vadd.s32 v1, v4;
	_ =	sdelay $0x1  }
0x3d: {  	v3 =	vadd.s32 v1, v3;
	_ =	sdelay $0x1  }
0x3e: {  	s0 =	rddreg [dreg:$0x9]  }
0x3f: {  	[tilespmem:s0], [sflag:$0x1] =	stream.indirect_vreg.gather [hbm4b:s1+s3], $0x80, v4, vm0, $0xb8;
	[tilespmem:$0x14180] =	vst v63  }
0x40: {  	s7 =	rddreg [dreg:$0xa]  }
0x41: {  	[tilespmem:s7], [sflag:$0x1] =	stream.indirect_vreg.gather [hbm4b:s1+s3], $0x80, v3, vm0, $0xb8;
	[tilespmem:$0x14180] =	vst v63  }
0x42: {  	v3 =	vld [tilespmem:$0x30];
	_ =	sdelay $0x4  }
0x43: {  	v47 =	vshll.u32 v3, $0x1  }
0x44: {  	v3 =	vand.u32 $0x7, v3;
	v4 =	vand.u32 $0xFFFFFFF0, v47  }
0x45: {  	v3 =	vor.u32 v3, v4  }
0x46: {  	v4 =	vperm.xlane v3, v0;
	_ =	sdelay $0x1  }
0x47: {  	v3 =	vperm.xlane v3, v2;
	v4 =	vadd.s32 v1, v4;
	_ =	sdelay $0x1  }
0x48: {  	v3 =	vadd.s32 v1, v3;
	_ =	sdelay $0x1  }
0x49: {  	s0 =	rddreg [dreg:$0xb]  }
0x4a: {  	[tilespmem:s0], [sflag:$0x1] =	stream.indirect_vreg.gather [hbm4b:s1+s3], $0x80, v4, vm0, $0xb8;
	[tilespmem:$0x14180] =	vst v63  }
0x4b: {  	s7 =	rddreg [dreg:$0xc]  }
0x4c: {  	[tilespmem:s7], [sflag:$0x1] =	stream.indirect_vreg.gather [hbm4b:s1+s3], $0x80, v3, vm0, $0xb8;
	[tilespmem:$0x14180] =	vst v63  }
0x4d: {  	v3 =	vld [tilespmem:$0x40];
	_ =	sdelay $0x4  }
0x4e: {  	v48 =	vshll.u32 v3, $0x1  }
0x4f: {  	v3 =	vand.u32 $0x7, v3;
	v4 =	vand.u32 $0xFFFFFFF0, v48  }
0x50: {  	v3 =	vor.u32 v3, v4  }
0x51: {  	v4 =	vperm.xlane v3, v0;
	_ =	sdelay $0x1  }
0x52: {  	v3 =	vperm.xlane v3, v2;
	v4 =	vadd.s32 v1, v4;
	_ =	sdelay $0x1  }
0x53: {  	v3 =	vadd.s32 v1, v3;
	_ =	sdelay $0x1  }
0x54: {  	s0 =	rddreg [dreg:$0xd]  }
0x55: {  	[tilespmem:s0], [sflag:$0x1] =	stream.indirect_vreg.gather [hbm4b:s1+s3], $0x80, v4, vm0, $0xb8;
	[tilespmem:$0x14180] =	vst v63  }
0x56: {  	s7 =	rddreg [dreg:$0xe]  }
0x57: {  	[tilespmem:s7], [sflag:$0x1] =	stream.indirect_vreg.gather [hbm4b:s1+s3], $0x80, v3, vm0, $0xb8;
	[tilespmem:$0x14180] =	vst v63  }
0x58: {  	v3 =	vld [tilespmem:$0x50];
	_ =	sdelay $0x4  }
0x59: {  	v49 =	vshll.u32 v3, $0x1  }
0x5a: {  	v3 =	vand.u32 $0x7, v3;
	v4 =	vand.u32 $0xFFFFFFF0, v49  }
0x5b: {  	v3 =	vor.u32 v3, v4  }
0x5c: {  	v4 =	vperm.xlane v3, v0;
	_ =	sdelay $0x1  }
0x5d: {  	v3 =	vperm.xlane v3, v2;
	v4 =	vadd.s32 v1, v4;
	_ =	sdelay $0x1  }
0x5e: {  	v3 =	vadd.s32 v1, v3;
	_ =	sdelay $0x1  }
0x5f: {  	s0 =	rddreg [dreg:$0xf]  }
0x60: {  	[tilespmem:s0], [sflag:$0x1] =	stream.indirect_vreg.gather [hbm4b:s1+s3], $0x80, v4, vm0, $0xb8;
	[tilespmem:$0x14180] =	vst v63  }
0x61: {  	s7 =	rddreg [dreg:$0x10]  }
0x62: {  	[tilespmem:s7], [sflag:$0x1] =	stream.indirect_vreg.gather [hbm4b:s1+s3], $0x80, v3, vm0, $0xb8;
	[tilespmem:$0x14180] =	vst v63  }
0x63: {  	v3 =	vld [tilespmem:$0x60];
	_ =	sdelay $0x4  }
0x64: {  	v50 =	vshll.u32 v3, $0x1  }
0x65: {  	v3 =	vand.u32 $0x7, v3;
	v4 =	vand.u32 $0xFFFFFFF0, v50  }
0x66: {  	v3 =	vor.u32 v3, v4  }
0x67: {  	v4 =	vperm.xlane v3, v0;
	_ =	sdelay $0x1  }
0x68: {  	v3 =	vperm.xlane v3, v2;
	v4 =	vadd.s32 v1, v4;
	_ =	sdelay $0x1  }
0x69: {  	v3 =	vadd.s32 v1, v3;
	_ =	sdelay $0x1  }
0x6a: {  	s0 =	rddreg [dreg:$0x11]  }
0x6b: {  	[tilespmem:s0], [sflag:$0x1] =	stream.indirect_vreg.gather [hbm4b:s1+s3], $0x80, v4, vm0, $0xb8;
	[tilespmem:$0x14180] =	vst v63  }
0x6c: {  	s7 =	rddreg [dreg:$0x12]  }
0x6d: {  	[tilespmem:s7], [sflag:$0x1] =	stream.indirect_vreg.gather [hbm4b:s1+s3], $0x80, v3, vm0, $0xb8;
	[tilespmem:$0x14180] =	vst v63  }
0x6e: {  	v3 =	vld [tilespmem:$0x70];
	_ =	sdelay $0x4  }
0x6f: {  	v51 =	vshll.u32 v3, $0x1  }
0x70: {  	v3 =	vand.u32 $0x7, v3;
	v4 =	vand.u32 $0xFFFFFFF0, v51  }
0x71: {  	v3 =	vor.u32 v3, v4  }
0x72: {  	v4 =	vperm.xlane v3, v0;
	_ =	sdelay $0x1  }
0x73: {  	v3 =	vperm.xlane v3, v2;
	v4 =	vadd.s32 v1, v4;
	_ =	sdelay $0x1  }
0x74: {  	v3 =	vadd.s32 v1, v3;
	_ =	sdelay $0x1  }
0x75: {  	s0 =	rddreg [dreg:$0x13]  }
0x76: {  	[tilespmem:s0], [sflag:$0x1] =	stream.indirect_vreg.gather [hbm4b:s1+s3], $0x80, v4, vm0, $0xb8;
	[tilespmem:$0x14180] =	vst v63  }
0x77: {  	s7 =	rddreg [dreg:$0x14]  }
0x78: {  	[tilespmem:s7], [sflag:$0x1] =	stream.indirect_vreg.gather [hbm4b:s1+s3], $0x80, v3, vm0, $0xb8;
	[tilespmem:$0x14180] =	vst v63  }
0x79: {  	v3 =	vld [tilespmem:$0x80];
	_ =	sdelay $0x4  }
0x7a: {  	v52 =	vshll.u32 v3, $0x1  }
0x7b: {  	v3 =	vand.u32 $0x7, v3;
	v4 =	vand.u32 $0xFFFFFFF0, v52  }
0x7c: {  	v3 =	vor.u32 v3, v4  }
0x7d: {  	v4 =	vperm.xlane v3, v0;
	_ =	sdelay $0x1  }
0x7e: {  	v3 =	vperm.xlane v3, v2;
	v4 =	vadd.s32 v1, v4;
	_ =	sdelay $0x1  }
0x7f: {  	v3 =	vadd.s32 v1, v3;
	_ =	sdelay $0x1  }
0x80: {  	s7 =	simm.s32 $0x8180  }
0x81: {  	[tilespmem:s7], [sflag:$0x1] =	stream.indirect_vreg.gather [hbm4b:s1+s3], $0x80, v4, vm0, $0xb8;
	[tilespmem:$0x14180] =	vst v63  }
0x82: {  	_ = 	snop  }
0x83: {  	[tilespmem:s8], [sflag:$0x1] =	stream.indirect_vreg.gather [hbm4b:s1+s3], $0x80, v3, vm0, $0xb8;
	[tilespmem:$0x14180] =	vst v63  }
0x84: {  	v3 =	vld [tilespmem:$0x90];
	_ =	sdelay $0x4  }
0x85: {  	v53 =	vshll.u32 v3, $0x1  }
0x86: {  	v3 =	vand.u32 $0x7, v3;
	v4 =	vand.u32 $0xFFFFFFF0, v53  }
0x87: {  	v3 =	vor.u32 v3, v4  }
0x88: {  	v4 =	vperm.xlane v3, v0;
	_ =	sdelay $0x1  }
0x89: {  	v3 =	vperm.xlane v3, v2;
	v4 =	vadd.s32 v1, v4;
	_ =	sdelay $0x1  }
0x8a: {  	v3 =	vadd.s32 v1, v3;
	_ =	sdelay $0x2  }
0x8b: {  	[tilespmem:s9], [sflag:$0x1] =	stream.indirect_vreg.gather [hbm4b:s1+s3], $0x80, v4, vm0, $0xb8;
	[tilespmem:$0x14180] =	vst v63  }
0x8c: {  	_ = 	snop  }
0x8d: {  	[tilespmem:s10], [sflag:$0x1] =	stream.indirect_vreg.gather [hbm4b:s1+s3], $0x80, v3, vm0, $0xb8;
	[tilespmem:$0x14180] =	vst v63  }
0x8e: {  	v3 =	vld [tilespmem:$0xA0];
	_ =	sdelay $0x4  }
0x8f: {  	v54 =	vshll.u32 v3, $0x1  }
0x90: {  	v3 =	vand.u32 $0x7, v3;
	v4 =	vand.u32 $0xFFFFFFF0, v54  }
0x91: {  	v3 =	vor.u32 v3, v4  }
0x92: {  	v4 =	vperm.xlane v3, v0;
	_ =	sdelay $0x1  }
0x93: {  	v3 =	vperm.xlane v3, v2;
	v4 =	vadd.s32 v1, v4;
	_ =	sdelay $0x1  }
0x94: {  	v3 =	vadd.s32 v1, v3;
	_ =	sdelay $0x2  }
0x95: {  	[tilespmem:s11], [sflag:$0x1] =	stream.indirect_vreg.gather [hbm4b:s1+s3], $0x80, v4, vm0, $0xb8;
	[tilespmem:$0x14180] =	vst v63  }
0x96: {  	_ = 	snop  }
0x97: {  	[tilespmem:s12], [sflag:$0x1] =	stream.indirect_vreg.gather [hbm4b:s1+s3], $0x80, v3, vm0, $0xb8;
	[tilespmem:$0x14180] =	vst v63  }
0x98: {  	v3 =	vld [tilespmem:$0xB0];
	_ =	sdelay $0x4  }
0x99: {  	v55 =	vshll.u32 v3, $0x1  }
0x9a: {  	v3 =	vand.u32 $0x7, v3;
	v4 =	vand.u32 $0xFFFFFFF0, v55  }
0x9b: {  	v3 =	vor.u32 v3, v4  }
0x9c: {  	v4 =	vperm.xlane v3, v0;
	_ =	sdelay $0x1  }
0x9d: {  	v3 =	vperm.xlane v3, v2;
	v4 =	vadd.s32 v1, v4;
	_ =	sdelay $0x1  }
0x9e: {  	v3 =	vadd.s32 v1, v3;
	_ =	sdelay $0x2  }
0x9f: {  	[tilespmem:s13], [sflag:$0x1] =	stream.indirect_vreg.gather [hbm4b:s1+s3], $0x80, v4, vm0, $0xb8;
	[tilespmem:$0x14180] =	vst v63  }
0xa0: {  	_ = 	snop  }
0xa1: {  	[tilespmem:s14], [sflag:$0x1] =	stream.indirect_vreg.gather [hbm4b:s1+s3], $0x80, v3, vm0, $0xb8;
	[tilespmem:$0x14180] =	vst v63  }
0xa2: {  	v3 =	vld [tilespmem:$0xC0];
	_ =	sdelay $0x4  }
0xa3: {  	v56 =	vshll.u32 v3, $0x1  }
0xa4: {  	v3 =	vand.u32 $0x7, v3;
	v4 =	vand.u32 $0xFFFFFFF0, v56  }
0xa5: {  	v3 =	vor.u32 v3, v4  }
0xa6: {  	v4 =	vperm.xlane v3, v0;
	_ =	sdelay $0x1  }
0xa7: {  	v3 =	vperm.xlane v3, v2;
	v4 =	vadd.s32 v1, v4;
	_ =	sdelay $0x1  }
0xa8: {  	v3 =	vadd.s32 v1, v3;
	_ =	sdelay $0x2  }
0xa9: {  	[tilespmem:s15], [sflag:$0x1] =	stream.indirect_vreg.gather [hbm4b:s1+s3], $0x80, v4, vm0, $0xb8;
	[tilespmem:$0x14180] =	vst v63  }
0xaa: {  	_ = 	snop  }
0xab: {  	[tilespmem:s16], [sflag:$0x1] =	stream.indirect_vreg.gather [hbm4b:s1+s3], $0x80, v3, vm0, $0xb8;
	[tilespmem:$0x14180] =	vst v63  }
0xac: {  	v3 =	vld [tilespmem:$0xD0];
	_ =	sdelay $0x4  }
0xad: {  	v57 =	vshll.u32 v3, $0x1  }
0xae: {  	v3 =	vand.u32 $0x7, v3;
	v4 =	vand.u32 $0xFFFFFFF0, v57  }
0xaf: {  	v3 =	vor.u32 v3, v4  }
0xb0: {  	v4 =	vperm.xlane v3, v0;
	_ =	sdelay $0x1  }
0xb1: {  	v3 =	vperm.xlane v3, v2;
	v4 =	vadd.s32 v1, v4;
	_ =	sdelay $0x1  }
0xb2: {  	v3 =	vadd.s32 v1, v3;
	_ =	sdelay $0x2  }
0xb3: {  	[tilespmem:s17], [sflag:$0x1] =	stream.indirect_vreg.gather [hbm4b:s1+s3], $0x80, v4, vm0, $0xb8;
	[tilespmem:$0x14180] =	vst v63  }
0xb4: {  	_ = 	snop  }
0xb5: {  	[tilespmem:s18], [sflag:$0x1] =	stream.indirect_vreg.gather [hbm4b:s1+s3], $0x80, v3, vm0, $0xb8;
	[tilespmem:$0x14180] =	vst v63  }
0xb6: {  	v3 =	vld [tilespmem:$0xE0];
	_ =	sdelay $0x4  }
0xb7: {  	v58 =	vshll.u32 v3, $0x1  }
0xb8: {  	v3 =	vand.u32 $0x7, v3;
	v4 =	vand.u32 $0xFFFFFFF0, v58  }
0xb9: {  	v3 =	vor.u32 v3, v4  }
0xba: {  	v4 =	vperm.xlane v3, v0;
	_ =	sdelay $0x1  }
0xbb: {  	v3 =	vperm.xlane v3, v2;
	v4 =	vadd.s32 v1, v4;
	_ =	sdelay $0x1  }
0xbc: {  	v3 =	vadd.s32 v1, v3;
	_ =	sdelay $0x2  }
0xbd: {  	[tilespmem:s19], [sflag:$0x1] =	stream.indirect_vreg.gather [hbm4b:s1+s3], $0x80, v4, vm0, $0xb8;
	[tilespmem:$0x14180] =	vst v63  }
0xbe: {  	_ = 	snop  }
0xbf: {  	[tilespmem:s20], [sflag:$0x1] =	stream.indirect_vreg.gather [hbm4b:s1+s3], $0x80, v3, vm0, $0xb8;
	[tilespmem:$0x14180] =	vst v63  }
0xc0: {  	v3 =	vld [tilespmem:$0xF0];
	_ =	sdelay $0x4  }
0xc1: {  	v59 =	vshll.u32 v3, $0x1  }
0xc2: {  	v3 =	vand.u32 $0x7, v3;
	v4 =	vand.u32 $0xFFFFFFF0, v59  }
0xc3: {  	v3 =	vor.u32 v3, v4  }
0xc4: {  	v4 =	vperm.xlane v3, v0;
	_ =	sdelay $0x1  }
0xc5: {  	v3 =	vperm.xlane v3, v2;
	v4 =	vadd.s32 v1, v4;
	_ =	sdelay $0x1  }
0xc6: {  	v3 =	vadd.s32 v1, v3;
	_ =	sdelay $0x2  }
0xc7: {  	[tilespmem:s21], [sflag:$0x1] =	stream.indirect_vreg.gather [hbm4b:s1+s3], $0x80, v4, vm0, $0xb8;
	[tilespmem:$0x14180] =	vst v63  }
0xc8: {  	_ = 	snop  }
0xc9: {  	[tilespmem:s22], [sflag:$0x1] =	stream.indirect_vreg.gather [hbm4b:s1+s3], $0x80, v3, vm0, $0xb8;
	[tilespmem:$0x14180] =	vst v63  }
0xca: {  	v3 =	vld [tilespmem:$0x100];
	_ =	sdelay $0x4  }
0xcb: {  	v60 =	vshll.u32 v3, $0x1  }
0xcc: {  	v3 =	vand.u32 $0x7, v3;
	v4 =	vand.u32 $0xFFFFFFF0, v60  }
0xcd: {  	v3 =	vor.u32 v3, v4  }
0xce: {  	v4 =	vperm.xlane v3, v0;
	_ =	sdelay $0x1  }
0xcf: {  	v3 =	vperm.xlane v3, v2;
	v4 =	vadd.s32 v1, v4;
	_ =	sdelay $0x1  }
0xd0: {  	v3 =	vadd.s32 v1, v3;
	_ =	sdelay $0x2  }
0xd1: {  	[tilespmem:s23], [sflag:$0x1] =	stream.indirect_vreg.gather [hbm4b:s1+s3], $0x80, v4, vm0, $0xb8;
	[tilespmem:$0x14180] =	vst v63  }
0xd2: {  	_ = 	snop  }
0xd3: {  	[tilespmem:s24], [sflag:$0x1] =	stream.indirect_vreg.gather [hbm4b:s1+s3], $0x80, v3, vm0, $0xb8;
	[tilespmem:$0x14180] =	vst v63  }
0xd4: {  	v3 =	vld [tilespmem:$0x110];
	_ =	sdelay $0x4  }
0xd5: {  	v61 =	vshll.u32 v3, $0x1  }
0xd6: {  	v3 =	vand.u32 $0x7, v3;
	v4 =	vand.u32 $0xFFFFFFF0, v61  }
0xd7: {  	v3 =	vor.u32 v3, v4  }
0xd8: {  	v4 =	vperm.xlane v3, v0;
	_ =	sdelay $0x1  }
0xd9: {  	v3 =	vperm.xlane v3, v2;
	v4 =	vadd.s32 v1, v4;
	_ =	sdelay $0x1  }
0xda: {  	v3 =	vadd.s32 v1, v3;
	_ =	sdelay $0x2  }
0xdb: {  	[tilespmem:s25], [sflag:$0x1] =	stream.indirect_vreg.gather [hbm4b:s1+s3], $0x80, v4, vm0, $0xb8;
	[tilespmem:$0x14180] =	vst v63  }
0xdc: {  	_ = 	snop  }
0xdd: {  	[tilespmem:s26], [sflag:$0x1] =	stream.indirect_vreg.gather [hbm4b:s1+s3], $0x80, v3, vm0, $0xb8;
	[tilespmem:$0x14180] =	vst v63  }
0xde: {  	v3 =	vld [tilespmem:$0x120];
	_ =	sdelay $0x4  }
0xdf: {  	v62 =	vshll.u32 v3, $0x1  }
0xe0: {  	v3 =	vand.u32 $0x7, v3;
	v4 =	vand.u32 $0xFFFFFFF0, v62  }
0xe1: {  	v3 =	vor.u32 v3, v4  }
0xe2: {  	v4 =	vperm.xlane v3, v0;
	_ =	sdelay $0x1  }
0xe3: {  	v3 =	vperm.xlane v3, v2;
	v4 =	vadd.s32 v1, v4;
	_ =	sdelay $0x1  }
0xe4: {  	v3 =	vadd.s32 v1, v3;
	_ =	sdelay $0x2  }
0xe5: {  	[tilespmem:s28], [sflag:$0x1] =	stream.indirect_vreg.gather [hbm4b:s1+s3], $0x80, v4, vm0, $0xb8;
	[tilespmem:$0x14180] =	vst v63  }
0xe6: {  	_ = 	snop  }
0xe7: {  	[tilespmem:s29], [sflag:$0x1] =	stream.indirect_vreg.gather [hbm4b:s1+s3], $0x80, v3, vm0, $0xb8;
	[tilespmem:$0x14180] =	vst v63  }
0xe8: {  	v3 =	vld [tilespmem:$0x130];
	_ =	sdelay $0x4  }
0xe9: {  	v63 =	vshll.u32 v3, $0x1  }
0xea: {  	v3 =	vand.u32 $0x7, v3;
	v4 =	vand.u32 $0xFFFFFFF0, v63  }
0xeb: {  	v3 =	vor.u32 v3, v4  }
0xec: {  	v4 =	vperm.xlane v3, v0;
	_ =	sdelay $0x1  }
0xed: {  	v3 =	vperm.xlane v3, v2;
	v4 =	vadd.s32 v1, v4;
	_ =	sdelay $0x1  }
0xee: {  	v3 =	vadd.s32 v1, v3;
	_ =	sdelay $0x2  }
0xef: {  	[tilespmem:s30], [sflag:$0x1] =	stream.indirect_vreg.gather [hbm4b:s1+s3], $0x80, v4, vm0, $0xb8;
	[tilespmem:$0x14180] =	vst v63  }
0xf0: {  	_ = 	snop  }
0xf1: {  	[tilespmem:s31], [sflag:$0x1] =	stream.indirect_vreg.gather [hbm4b:s1+s3], $0x80, v3, vm0, $0xb8;
	[tilespmem:$0x14180] =	vst v63  }
0xf2: {  	_ =	swait.ge [sflag:s2], $0x14000  }
0xf3: {  	p0 =	sne.s32 s4, $0x1;
	[sflag:s2] =	ssyncset.done $0x0  }
.Ltmp0:
0xf4: {  	s7 =	rddreg [dreg:$0x5];
	[sflag:s2] =	ssyncadd.s32 $0xFFFEC000;
	(pc) =	sbr.rel @p0 .LBB2_1-.Ltmp0, $4  }
0xf5: {  	[hbm4b:s7+s3] =	stream.linear.scatter [tilespmem:s6], [sflag:$0x2], $0x14000, $0x38;
	[tilespmem:$0x14180] =	vst v63  }
0xf6: {  	_ =	swait.ge [sflag:s5], $0x14000  }
0xf7: {  	[sflag:s5] =	ssyncset.done $0x0  }
0xf8: {  	s4 =	sadd.s32 $0xFFFFFFFF, s4;
	[sflag:s5] =	ssyncadd.s32 $0xFFFEC000  }
0xf9: {  	_ =	sfence.sel $0x180000  }
0xfa: {  	[bflag:$0x0] =	sbarrier.arrive $0xFFFF  }
0xfb: {  	_ =	strace $0x90000047  }
0xfc: {  	s0 =	stileid.u32;
	[bflag:$0x2] =	sbarrier.arrive $0xFFFF  }
0xfd: {  	p0 =	sne.s32 s0, $0x0;
	s0 =	rddreg [dreg:$0x3]  }
0xfe: {  	s0 =	sadd.s32 @!p0 $0x100000, s0  }
0xff: {  	[sflag:s0] =	ssyncadd.tile.s32 @!p0 $0x1;
	_ =	shalt  }
.Lfunc_end2:
_tile_overlayer_lowered:
.L_overlay_start_2:
0x100: {  	(tag) =	ssettag $0x2  }
0x101: {  	s0 =	rddreg [dreg:$0x0];
	s2 =	stileid.u32  }
0x102: {  	s1 =	rddreg [dreg:$0x1];
	p0 =	sne.s32 s2, $0x0  }
0x103: {  	s3 =	rddreg [dreg:$0x2];
	[bflag:$0x3] =	sbarrier.arrive $0xFFFF;
	s2 =	simm.s32 @!p0 $0x1C02  }
0x104: {  	[timem:s3], [sflag:s2] =	dma.local @!p0 [hbm:s0], s1  }
0x105: {  	s0 =	simm.s32 @!p0 $0x2  }
0x106: {  	_ =	swait.ge @!p0 [sflag:s0], s1  }
0x107: {  	s1 =	ssub.s32 @!p0 $0x0, s1;
	[sflag:s0] =	ssyncset.done @!p0 $0x0  }
0x108: {  	[sflag:s0] =	ssyncadd.s32 @!p0 s1  }
0x109: {  	[bflag:$0x3] =	sbarrier.arrive $0xFFFF  }
0x10a: {  	_ =	shalt  }

</sc_bundles>
